<compile_context>
chip_gen: v7x
topology: tpu7x:2x2x1
jax: 0.10.2.dev20260603
libtpu: 0.0.44.dev20260713+nightly
codegen_flags: <defaults>
</compile_context>

<pallas_src>
import functools

import jax
import jax.numpy as jnp
from jax import lax
from jax.experimental import pallas as pl
from jax.experimental.pallas import tpu as pltpu
from jax.experimental.pallas import tpu_sc as plsc

CHUNK = 128
DP = 256


@functools.lru_cache(maxsize=None)
def _make_gather(B, V):
    info = plsc.get_sparse_core_info()
    NC, NS = info.num_cores, info.num_subcores
    NW = NC * NS
    assert B % (NW * CHUNK) == 0
    b_per_w = B // NW
    n_chunks = b_per_w // CHUNK
    assert n_chunks % 3 == 2
    mesh = plsc.VectorSubcoreMesh(core_axis_name="c", subcore_axis_name="s")

    @functools.partial(
        pl.kernel,
        mesh=mesh,
        out_type=jax.ShapeDtypeStruct((B, DP), jnp.float32),
        scratch_types=[
            pltpu.VMEM((b_per_w,), jnp.int32),
            pltpu.VMEM((CHUNK, DP), jnp.float32),
            pltpu.VMEM((CHUNK, DP), jnp.float32),
            pltpu.VMEM((CHUNK, DP), jnp.float32),
            pltpu.SemaphoreType.DMA,
            pltpu.SemaphoreType.DMA,
            pltpu.SemaphoreType.DMA,
            pltpu.SemaphoreType.DMA,
            pltpu.SemaphoreType.DMA,
            pltpu.SemaphoreType.DMA,
        ],
    )
    def gather_kernel(idx_hbm, table_hbm, out_hbm, idx_v, rows0, rows1,
                      rows2, gs0, gs1, gs2, ss0, ss1, ss2):
        wid = lax.axis_index("s") * NC + lax.axis_index("c")
        base = wid * b_per_w
        pltpu.sync_copy(idx_hbm.at[pl.ds(base, b_per_w)], idx_v)
        rows = (rows0, rows1, rows2)
        gsems = (gs0, gs1, gs2)
        ssems = (ss0, ss1, ss2)

        def start_gather(c, b):
            pltpu.async_copy(
                table_hbm.at[idx_v.at[pl.ds(c * CHUNK, CHUNK)]], rows[b],
                gsems[b])

        def wait_gather(c, b):
            pltpu.make_async_copy(
                table_hbm.at[idx_v.at[pl.ds(c * CHUNK, CHUNK)]], rows[b],
                gsems[b]).wait()

        def start_scatter(c, b):
            pltpu.async_copy(
                rows[b], out_hbm.at[pl.ds(base + c * CHUNK, CHUNK), :],
                ssems[b])

        def wait_scatter(c, b):
            pltpu.make_async_copy(
                rows[b], out_hbm.at[pl.ds(base + c * CHUNK, CHUNK), :],
                ssems[b]).wait()

        for r in range(3):
            start_gather(r, r)
        for r in range(3):
            wait_gather(r, r)
            start_scatter(r, r)

        def body(t, carry):
            c = 3 * t
            for r in range(3):
                wait_scatter(c + r - 3, r)
                start_gather(c + r, r)
            for r in range(3):
                wait_gather(c + r, r)
                start_scatter(c + r, r)
            return carry

        lax.fori_loop(1, (n_chunks - 2) // 3, body, 0)
        for r in range(2):
            c = n_chunks - 2 + r
            wait_scatter(c - 3, r)
            start_gather(c, r)
        for r in range(2):
            c = n_chunks - 2 + r
            wait_gather(c, r)
            start_scatter(c, r)
        wait_scatter(n_chunks - 3, 2)
        wait_scatter(n_chunks - 2, 0)
        wait_scatter(n_chunks - 1, 1)

    return gather_kernel


def kernel(x, table):
    B, S = x.shape
    V, D = table.shape
    flat = x.reshape(B * S).astype(jnp.int32)
    table_p = jnp.pad(table, ((0, 0), (0, DP - D)))
    out = _make_gather(B * S, V)(flat, table_p)
    return out[:, :D].reshape(B, S, D)

# --- scband reference (transcript-rebuilt; emitter-appended) ---
"""Pipeline reference for scband-glove-34952443854975 (READ-ONLY COPY).

The authoritative reference and input builder live on the scoring server;
editing this copy changes nothing except your own understanding.
"""

import jax, jax.numpy as jnp
import numpy as np

VOCAB = 100000
EMBED_DIM = 200
BATCH = 4096
SEQ = 200


def setup_inputs(seed: int = 0) -> dict:
    key = jax.random.key(seed)
    k_idx, k_tab = jax.random.split(key)
    # token indices into the vocabulary (pretrained glove table rows)
    x = jax.random.randint(k_idx, (BATCH, SEQ), 0, VOCAB)
    # pretrained embedding table (nn.Embedding.from_pretrained weights)
    table = jax.random.normal(k_tab, (VOCAB, EMBED_DIM), dtype=jnp.float32)
    return {"x": x, "table": table}


def reference(x, table):
    # Glove.forward: self._embed(x) -> pure embedding row gather
    return jnp.take(table, x, axis=0)

if __name__ == "__main__":
    import jax
    _d = setup_inputs()
    print(jax.jit(kernel)(*tuple(_d.values())))

</pallas_src>

<mosaic_0001>
#map = affine_map<(d0, d1) -> (0)>
#map1 = affine_map<(d0, d1) -> (0, 0)>
module attributes {stable_mosaic.version = 14 : i64} {
  func.func @gather_kernel(%arg0: i32, %arg1: i32, %arg2: memref<819200xi32, #tpu.memory_space<hbm>>, %arg3: memref<100000x256xf32, #tpu.memory_space<hbm>>, %arg4: memref<819200x256xf32, #tpu.memory_space<hbm>>, %arg5: memref<25600xi32, #tpu.memory_space<vmem>>, %arg6: memref<128x256xf32, #tpu.memory_space<vmem>>, %arg7: memref<128x256xf32, #tpu.memory_space<vmem>>, %arg8: memref<128x256xf32, #tpu.memory_space<vmem>>, %arg9: memref<!tpu.dma_semaphore, #tpu.memory_space<semaphore_mem>>, %arg10: memref<!tpu.dma_semaphore, #tpu.memory_space<semaphore_mem>>, %arg11: memref<!tpu.dma_semaphore, #tpu.memory_space<semaphore_mem>>, %arg12: memref<!tpu.dma_semaphore, #tpu.memory_space<semaphore_mem>>, %arg13: memref<!tpu.dma_semaphore, #tpu.memory_space<semaphore_mem>>, %arg14: memref<!tpu.dma_semaphore, #tpu.memory_space<semaphore_mem>>) attributes {dimension_semantics = [#tpu.dimension_semantics<core_parallel>, #tpu.dimension_semantics<subcore_parallel>], iteration_bounds = array<i64: 2, 16>, scalar_prefetch = 0 : i64, scratch_operands = 10 : i64, tpu.core_type = #tpu.core_type<sc_vector_subcore>, window_params = [{transform_indices = #map}, {transform_indices = #map1}, {transform_indices = #map1}]} {
    %mul3A = arith.constant 2 : i32
    %mul3A_0 = arith.muli %arg1, %mul3A : i32
    %add3A = arith.addi %mul3A_0, %arg0 : i32
    %mul3A_1 = arith.constant 25600 : i32
    %mul3A_2 = arith.muli %add3A, %mul3A_1 : i32
    "tpu.region"() ({
      %run_scoped3A = tpu.sem_alloc : memref<!tpu.dma_semaphore, #tpu.memory_space<semaphore_mem>>
      %dma_start3A_116 = tpu.memref_slice %arg2[%mul3A_2] : memref<819200xi32, #tpu.memory_space<hbm>> -> memref<25600xi32, #tpu.memory_space<hbm>>
      %dma_start3A_117 = tpu.memref_slice %arg2[%mul3A_2] : memref<819200xi32, #tpu.memory_space<hbm>> -> memref<25600xi32, #tpu.memory_space<hbm>>
      tpu.enqueue_dma source(%dma_start3A_117 : memref<25600xi32, #tpu.memory_space<hbm>>) target(%arg5 : memref<25600xi32, #tpu.memory_space<vmem>>) target_semaphore(%run_scoped3A : memref<!tpu.dma_semaphore, #tpu.memory_space<semaphore_mem>>)
      %dma_wait3A_118 = tpu.memref_slice %arg2[%mul3A_2] : memref<819200xi32, #tpu.memory_space<hbm>> -> memref<25600xi32, #tpu.memory_space<hbm>>
      %dma_wait3A_119 = tpu.memref_slice %arg2[%mul3A_2] : memref<819200xi32, #tpu.memory_space<hbm>> -> memref<25600xi32, #tpu.memory_space<hbm>>
      tpu.wait_dma2 semaphore(%run_scoped3A : memref<!tpu.dma_semaphore, #tpu.memory_space<semaphore_mem>>) src(%dma_wait3A_119 : memref<25600xi32, #tpu.memory_space<hbm>>) dst(%arg5 : memref<25600xi32, #tpu.memory_space<vmem>>)
      tpu.yield
    }) : () -> ()
    %dma_start3A = arith.constant 0 : i32
    %dma_start3A_3 = tpu.memref_slice %arg5[%dma_start3A] : memref<25600xi32, #tpu.memory_space<vmem>> -> memref<128xi32, #tpu.memory_space<vmem>>
    %dma_start3A_4 = arith.constant 0 : i32
    %dma_start3A_5 = arith.constant 0 : i32
    %dma_start3A_6 = tpu.memref_slice %arg3[%dma_start3A_4, %dma_start3A_5] : memref<100000x256xf32, #tpu.memory_space<hbm>> -> memref<100000x256xf32, #tpu.memory_space<hbm>>
    tpu.enqueue_indirect_dma source(%dma_start3A_6 : memref<100000x256xf32, #tpu.memory_space<hbm>>) target(%arg6 : memref<128x256xf32, #tpu.memory_space<vmem>>) offsets(%dma_start3A_3 : memref<128xi32, #tpu.memory_space<vmem>>) semaphore(%arg9 : memref<!tpu.dma_semaphore, #tpu.memory_space<semaphore_mem>>)
    %dma_start3A_7 = arith.constant 128 : i32
    %dma_start3A_8 = tpu.memref_slice %arg5[%dma_start3A_7] : memref<25600xi32, #tpu.memory_space<vmem>> -> memref<128xi32, #tpu.memory_space<vmem>>
    %dma_start3A_9 = arith.constant 0 : i32
    %dma_start3A_10 = arith.constant 0 : i32
    %dma_start3A_11 = tpu.memref_slice %arg3[%dma_start3A_9, %dma_start3A_10] : memref<100000x256xf32, #tpu.memory_space<hbm>> -> memref<100000x256xf32, #tpu.memory_space<hbm>>
    tpu.enqueue_indirect_dma source(%dma_start3A_11 : memref<100000x256xf32, #tpu.memory_space<hbm>>) target(%arg7 : memref<128x256xf32, #tpu.memory_space<vmem>>) offsets(%dma_start3A_8 : memref<128xi32, #tpu.memory_space<vmem>>) semaphore(%arg10 : memref<!tpu.dma_semaphore, #tpu.memory_space<semaphore_mem>>)
    %dma_start3A_12 = arith.constant 256 : i32
    %dma_start3A_13 = tpu.memref_slice %arg5[%dma_start3A_12] : memref<25600xi32, #tpu.memory_space<vmem>> -> memref<128xi32, #tpu.memory_space<vmem>>
    %dma_start3A_14 = arith.constant 0 : i32
    %dma_start3A_15 = arith.constant 0 : i32
    %dma_start3A_16 = tpu.memref_slice %arg3[%dma_start3A_14, %dma_start3A_15] : memref<100000x256xf32, #tpu.memory_space<hbm>> -> memref<100000x256xf32, #tpu.memory_space<hbm>>
    tpu.enqueue_indirect_dma source(%dma_start3A_16 : memref<100000x256xf32, #tpu.memory_space<hbm>>) target(%arg8 : memref<128x256xf32, #tpu.memory_space<vmem>>) offsets(%dma_start3A_13 : memref<128xi32, #tpu.memory_space<vmem>>) semaphore(%arg11 : memref<!tpu.dma_semaphore, #tpu.memory_space<semaphore_mem>>)
    %dma_wait3A = arith.constant 0 : i32
    %dma_wait3A_17 = tpu.memref_slice %arg5[%dma_wait3A] : memref<25600xi32, #tpu.memory_space<vmem>> -> memref<128xi32, #tpu.memory_space<vmem>>
    %dma_wait3A_18 = arith.constant 0 : i32
    %dma_wait3A_19 = arith.constant 0 : i32
    %dma_wait3A_20 = tpu.memref_slice %arg3[%dma_wait3A_18, %dma_wait3A_19] : memref<100000x256xf32, #tpu.memory_space<hbm>> -> memref<100000x256xf32, #tpu.memory_space<hbm>>
    tpu.wait_indirect_dma semaphore(%arg9 : memref<!tpu.dma_semaphore, #tpu.memory_space<semaphore_mem>>) src(%dma_wait3A_20 : memref<100000x256xf32, #tpu.memory_space<hbm>>) dst(%arg6 : memref<128x256xf32, #tpu.memory_space<vmem>>)
    %add3A_21 = arith.constant 0 : i32
    %add3A_22 = arith.addi %mul3A_2, %add3A_21 : i32
    %dma_start3A_23 = arith.constant 0 : i32
    %dma_start3A_24 = tpu.memref_slice %arg4[%add3A_22, %dma_start3A_23] : memref<819200x256xf32, #tpu.memory_space<hbm>> -> memref<128x256xf32, #tpu.memory_space<hbm>>
    %dma_start3A_25 = arith.constant 0 : i32
    %dma_start3A_26 = tpu.memref_slice %arg4[%add3A_22, %dma_start3A_25] : memref<819200x256xf32, #tpu.memory_space<hbm>> -> memref<128x256xf32, #tpu.memory_space<hbm>>
    tpu.enqueue_dma source(%arg6 : memref<128x256xf32, #tpu.memory_space<vmem>>) target(%dma_start3A_26 : memref<128x256xf32, #tpu.memory_space<hbm>>) target_semaphore(%arg12 : memref<!tpu.dma_semaphore, #tpu.memory_space<semaphore_mem>>)
    %dma_wait3A_27 = arith.constant 128 : i32
    %dma_wait3A_28 = tpu.memref_slice %arg5[%dma_wait3A_27] : memref<25600xi32, #tpu.memory_space<vmem>> -> memref<128xi32, #tpu.memory_space<vmem>>
    %dma_wait3A_29 = arith.constant 0 : i32
    %dma_wait3A_30 = arith.constant 0 : i32
    %dma_wait3A_31 = tpu.memref_slice %arg3[%dma_wait3A_29, %dma_wait3A_30] : memref<100000x256xf32, #tpu.memory_space<hbm>> -> memref<100000x256xf32, #tpu.memory_space<hbm>>
    tpu.wait_indirect_dma semaphore(%arg10 : memref<!tpu.dma_semaphore, #tpu.memory_space<semaphore_mem>>) src(%dma_wait3A_31 : memref<100000x256xf32, #tpu.memory_space<hbm>>) dst(%arg7 : memref<128x256xf32, #tpu.memory_space<vmem>>)
    %add3A_32 = arith.constant 128 : i32
    %add3A_33 = arith.addi %mul3A_2, %add3A_32 : i32
    %dma_start3A_34 = arith.constant 0 : i32
    %dma_start3A_35 = tpu.memref_slice %arg4[%add3A_33, %dma_start3A_34] : memref<819200x256xf32, #tpu.memory_space<hbm>> -> memref<128x256xf32, #tpu.memory_space<hbm>>
    %dma_start3A_36 = arith.constant 0 : i32
    %dma_start3A_37 = tpu.memref_slice %arg4[%add3A_33, %dma_start3A_36] : memref<819200x256xf32, #tpu.memory_space<hbm>> -> memref<128x256xf32, #tpu.memory_space<hbm>>
    tpu.enqueue_dma source(%arg7 : memref<128x256xf32, #tpu.memory_space<vmem>>) target(%dma_start3A_37 : memref<128x256xf32, #tpu.memory_space<hbm>>) target_semaphore(%arg13 : memref<!tpu.dma_semaphore, #tpu.memory_space<semaphore_mem>>)
    %dma_wait3A_38 = arith.constant 256 : i32
    %dma_wait3A_39 = tpu.memref_slice %arg5[%dma_wait3A_38] : memref<25600xi32, #tpu.memory_space<vmem>> -> memref<128xi32, #tpu.memory_space<vmem>>
    %dma_wait3A_40 = arith.constant 0 : i32
    %dma_wait3A_41 = arith.constant 0 : i32
    %dma_wait3A_42 = tpu.memref_slice %arg3[%dma_wait3A_40, %dma_wait3A_41] : memref<100000x256xf32, #tpu.memory_space<hbm>> -> memref<100000x256xf32, #tpu.memory_space<hbm>>
    tpu.wait_indirect_dma semaphore(%arg11 : memref<!tpu.dma_semaphore, #tpu.memory_space<semaphore_mem>>) src(%dma_wait3A_42 : memref<100000x256xf32, #tpu.memory_space<hbm>>) dst(%arg8 : memref<128x256xf32, #tpu.memory_space<vmem>>)
    %add3A_43 = arith.constant 256 : i32
    %add3A_44 = arith.addi %mul3A_2, %add3A_43 : i32
    %dma_start3A_45 = arith.constant 0 : i32
    %dma_start3A_46 = tpu.memref_slice %arg4[%add3A_44, %dma_start3A_45] : memref<819200x256xf32, #tpu.memory_space<hbm>> -> memref<128x256xf32, #tpu.memory_space<hbm>>
    %dma_start3A_47 = arith.constant 0 : i32
    %dma_start3A_48 = tpu.memref_slice %arg4[%add3A_44, %dma_start3A_47] : memref<819200x256xf32, #tpu.memory_space<hbm>> -> memref<128x256xf32, #tpu.memory_space<hbm>>
    tpu.enqueue_dma source(%arg8 : memref<128x256xf32, #tpu.memory_space<vmem>>) target(%dma_start3A_48 : memref<128x256xf32, #tpu.memory_space<hbm>>) target_semaphore(%arg14 : memref<!tpu.dma_semaphore, #tpu.memory_space<semaphore_mem>>)
    %scan3A = arith.constant 0 : i32
    %scan3A_49 = arith.constant 1 : i32
    %scan3A_50 = arith.constant 65 : i32
    %scan3A_51 = arith.addi %scan3A_49, %scan3A_50 : i32
    %scan3A_52 = arith.constant 1 : i32
    scf.for %scan3A_116 = %scan3A_49 to %scan3A_51 step %scan3A_52  : i32 {
      %mul3A_117 = arith.constant 3 : i32
      %mul3A_118 = arith.muli %mul3A_117, %scan3A_116 : i32
      %add3A_119 = arith.constant 0 : i32
      %add3A_120 = arith.addi %mul3A_118, %add3A_119 : i32
      %sub3A = arith.constant 3 : i32
      %sub3A_121 = arith.subi %add3A_120, %sub3A : i32
      %mul3A_122 = arith.constant 128 : i32
      %mul3A_123 = arith.muli %sub3A_121, %mul3A_122 : i32
      %add3A_124 = arith.addi %mul3A_2, %mul3A_123 : i32
      %dma_wait3A_125 = arith.constant 0 : i32
      %dma_wait3A_126 = tpu.memref_slice %arg4[%add3A_124, %dma_wait3A_125] : memref<819200x256xf32, #tpu.memory_space<hbm>> -> memref<128x256xf32, #tpu.memory_space<hbm>>
      %dma_wait3A_127 = arith.constant 0 : i32
      %dma_wait3A_128 = tpu.memref_slice %arg4[%add3A_124, %dma_wait3A_127] : memref<819200x256xf32, #tpu.memory_space<hbm>> -> memref<128x256xf32, #tpu.memory_space<hbm>>
      tpu.wait_dma2 semaphore(%arg12 : memref<!tpu.dma_semaphore, #tpu.memory_space<semaphore_mem>>) src(%arg6 : memref<128x256xf32, #tpu.memory_space<vmem>>) dst(%dma_wait3A_128 : memref<128x256xf32, #tpu.memory_space<hbm>>)
      %add3A_129 = arith.constant 0 : i32
      %add3A_130 = arith.addi %mul3A_118, %add3A_129 : i32
      %mul3A_131 = arith.constant 128 : i32
      %mul3A_132 = arith.muli %add3A_130, %mul3A_131 : i32
      %dma_start3A_133 = tpu.memref_slice %arg5[%mul3A_132] : memref<25600xi32, #tpu.memory_space<vmem>> -> memref<128xi32, #tpu.memory_space<vmem>>
      %dma_start3A_134 = arith.constant 0 : i32
      %dma_start3A_135 = arith.constant 0 : i32
      %dma_start3A_136 = tpu.memref_slice %arg3[%dma_start3A_134, %dma_start3A_135] : memref<100000x256xf32, #tpu.memory_space<hbm>> -> memref<100000x256xf32, #tpu.memory_space<hbm>>
      tpu.enqueue_indirect_dma source(%dma_start3A_136 : memref<100000x256xf32, #tpu.memory_space<hbm>>) target(%arg6 : memref<128x256xf32, #tpu.memory_space<vmem>>) offsets(%dma_start3A_133 : memref<128xi32, #tpu.memory_space<vmem>>) semaphore(%arg9 : memref<!tpu.dma_semaphore, #tpu.memory_space<semaphore_mem>>)
      %add3A_137 = arith.constant 1 : i32
      %add3A_138 = arith.addi %mul3A_118, %add3A_137 : i32
      %sub3A_139 = arith.constant 3 : i32
      %sub3A_140 = arith.subi %add3A_138, %sub3A_139 : i32
      %mul3A_141 = arith.constant 128 : i32
      %mul3A_142 = arith.muli %sub3A_140, %mul3A_141 : i32
      %add3A_143 = arith.addi %mul3A_2, %mul3A_142 : i32
      %dma_wait3A_144 = arith.constant 0 : i32
      %dma_wait3A_145 = tpu.memref_slice %arg4[%add3A_143, %dma_wait3A_144] : memref<819200x256xf32, #tpu.memory_space<hbm>> -> memref<128x256xf32, #tpu.memory_space<hbm>>
      %dma_wait3A_146 = arith.constant 0 : i32
      %dma_wait3A_147 = tpu.memref_slice %arg4[%add3A_143, %dma_wait3A_146] : memref<819200x256xf32, #tpu.memory_space<hbm>> -> memref<128x256xf32, #tpu.memory_space<hbm>>
      tpu.wait_dma2 semaphore(%arg13 : memref<!tpu.dma_semaphore, #tpu.memory_space<semaphore_mem>>) src(%arg7 : memref<128x256xf32, #tpu.memory_space<vmem>>) dst(%dma_wait3A_147 : memref<128x256xf32, #tpu.memory_space<hbm>>)
      %add3A_148 = arith.constant 1 : i32
      %add3A_149 = arith.addi %mul3A_118, %add3A_148 : i32
      %mul3A_150 = arith.constant 128 : i32
      %mul3A_151 = arith.muli %add3A_149, %mul3A_150 : i32
      %dma_start3A_152 = tpu.memref_slice %arg5[%mul3A_151] : memref<25600xi32, #tpu.memory_space<vmem>> -> memref<128xi32, #tpu.memory_space<vmem>>
      %dma_start3A_153 = arith.constant 0 : i32
      %dma_start3A_154 = arith.constant 0 : i32
      %dma_start3A_155 = tpu.memref_slice %arg3[%dma_start3A_153, %dma_start3A_154] : memref<100000x256xf32, #tpu.memory_space<hbm>> -> memref<100000x256xf32, #tpu.memory_space<hbm>>
      tpu.enqueue_indirect_dma source(%dma_start3A_155 : memref<100000x256xf32, #tpu.memory_space<hbm>>) target(%arg7 : memref<128x256xf32, #tpu.memory_space<vmem>>) offsets(%dma_start3A_152 : memref<128xi32, #tpu.memory_space<vmem>>) semaphore(%arg10 : memref<!tpu.dma_semaphore, #tpu.memory_space<semaphore_mem>>)
      %add3A_156 = arith.constant 2 : i32
      %add3A_157 = arith.addi %mul3A_118, %add3A_156 : i32
      %sub3A_158 = arith.constant 3 : i32
      %sub3A_159 = arith.subi %add3A_157, %sub3A_158 : i32
      %mul3A_160 = arith.constant 128 : i32
      %mul3A_161 = arith.muli %sub3A_159, %mul3A_160 : i32
      %add3A_162 = arith.addi %mul3A_2, %mul3A_161 : i32
      %dma_wait3A_163 = arith.constant 0 : i32
      %dma_wait3A_164 = tpu.memref_slice %arg4[%add3A_162, %dma_wait3A_163] : memref<819200x256xf32, #tpu.memory_space<hbm>> -> memref<128x256xf32, #tpu.memory_space<hbm>>
      %dma_wait3A_165 = arith.constant 0 : i32
      %dma_wait3A_166 = tpu.memref_slice %arg4[%add3A_162, %dma_wait3A_165] : memref<819200x256xf32, #tpu.memory_space<hbm>> -> memref<128x256xf32, #tpu.memory_space<hbm>>
      tpu.wait_dma2 semaphore(%arg14 : memref<!tpu.dma_semaphore, #tpu.memory_space<semaphore_mem>>) src(%arg8 : memref<128x256xf32, #tpu.memory_space<vmem>>) dst(%dma_wait3A_166 : memref<128x256xf32, #tpu.memory_space<hbm>>)
      %add3A_167 = arith.constant 2 : i32
      %add3A_168 = arith.addi %mul3A_118, %add3A_167 : i32
      %mul3A_169 = arith.constant 128 : i32
      %mul3A_170 = arith.muli %add3A_168, %mul3A_169 : i32
      %dma_start3A_171 = tpu.memref_slice %arg5[%mul3A_170] : memref<25600xi32, #tpu.memory_space<vmem>> -> memref<128xi32, #tpu.memory_space<vmem>>
      %dma_start3A_172 = arith.constant 0 : i32
      %dma_start3A_173 = arith.constant 0 : i32
      %dma_start3A_174 = tpu.memref_slice %arg3[%dma_start3A_172, %dma_start3A_173] : memref<100000x256xf32, #tpu.memory_space<hbm>> -> memref<100000x256xf32, #tpu.memory_space<hbm>>
      tpu.enqueue_indirect_dma source(%dma_start3A_174 : memref<100000x256xf32, #tpu.memory_space<hbm>>) target(%arg8 : memref<128x256xf32, #tpu.memory_space<vmem>>) offsets(%dma_start3A_171 : memref<128xi32, #tpu.memory_space<vmem>>) semaphore(%arg11 : memref<!tpu.dma_semaphore, #tpu.memory_space<semaphore_mem>>)
      %add3A_175 = arith.constant 0 : i32
      %add3A_176 = arith.addi %mul3A_118, %add3A_175 : i32
      %mul3A_177 = arith.constant 128 : i32
      %mul3A_178 = arith.muli %add3A_176, %mul3A_177 : i32
      %dma_wait3A_179 = tpu.memref_slice %arg5[%mul3A_178] : memref<25600xi32, #tpu.memory_space<vmem>> -> memref<128xi32, #tpu.memory_space<vmem>>
      %dma_wait3A_180 = arith.constant 0 : i32
      %dma_wait3A_181 = arith.constant 0 : i32
      %dma_wait3A_182 = tpu.memref_slice %arg3[%dma_wait3A_180, %dma_wait3A_181] : memref<100000x256xf32, #tpu.memory_space<hbm>> -> memref<100000x256xf32, #tpu.memory_space<hbm>>
      tpu.wait_indirect_dma semaphore(%arg9 : memref<!tpu.dma_semaphore, #tpu.memory_space<semaphore_mem>>) src(%dma_wait3A_182 : memref<100000x256xf32, #tpu.memory_space<hbm>>) dst(%arg6 : memref<128x256xf32, #tpu.memory_space<vmem>>)
      %add3A_183 = arith.constant 0 : i32
      %add3A_184 = arith.addi %mul3A_118, %add3A_183 : i32
      %mul3A_185 = arith.constant 128 : i32
      %mul3A_186 = arith.muli %add3A_184, %mul3A_185 : i32
      %add3A_187 = arith.addi %mul3A_2, %mul3A_186 : i32
      %dma_start3A_188 = arith.constant 0 : i32
      %dma_start3A_189 = tpu.memref_slice %arg4[%add3A_187, %dma_start3A_188] : memref<819200x256xf32, #tpu.memory_space<hbm>> -> memref<128x256xf32, #tpu.memory_space<hbm>>
      %dma_start3A_190 = arith.constant 0 : i32
      %dma_start3A_191 = tpu.memref_slice %arg4[%add3A_187, %dma_start3A_190] : memref<819200x256xf32, #tpu.memory_space<hbm>> -> memref<128x256xf32, #tpu.memory_space<hbm>>
      tpu.enqueue_dma source(%arg6 : memref<128x256xf32, #tpu.memory_space<vmem>>) target(%dma_start3A_191 : memref<128x256xf32, #tpu.memory_space<hbm>>) target_semaphore(%arg12 : memref<!tpu.dma_semaphore, #tpu.memory_space<semaphore_mem>>)
      %add3A_192 = arith.constant 1 : i32
      %add3A_193 = arith.addi %mul3A_118, %add3A_192 : i32
      %mul3A_194 = arith.constant 128 : i32
      %mul3A_195 = arith.muli %add3A_193, %mul3A_194 : i32
      %dma_wait3A_196 = tpu.memref_slice %arg5[%mul3A_195] : memref<25600xi32, #tpu.memory_space<vmem>> -> memref<128xi32, #tpu.memory_space<vmem>>
      %dma_wait3A_197 = arith.constant 0 : i32
      %dma_wait3A_198 = arith.constant 0 : i32
      %dma_wait3A_199 = tpu.memref_slice %arg3[%dma_wait3A_197, %dma_wait3A_198] : memref<100000x256xf32, #tpu.memory_space<hbm>> -> memref<100000x256xf32, #tpu.memory_space<hbm>>
      tpu.wait_indirect_dma semaphore(%arg10 : memref<!tpu.dma_semaphore, #tpu.memory_space<semaphore_mem>>) src(%dma_wait3A_199 : memref<100000x256xf32, #tpu.memory_space<hbm>>) dst(%arg7 : memref<128x256xf32, #tpu.memory_space<vmem>>)
      %add3A_200 = arith.constant 1 : i32
      %add3A_201 = arith.addi %mul3A_118, %add3A_200 : i32
      %mul3A_202 = arith.constant 128 : i32
      %mul3A_203 = arith.muli %add3A_201, %mul3A_202 : i32
      %add3A_204 = arith.addi %mul3A_2, %mul3A_203 : i32
      %dma_start3A_205 = arith.constant 0 : i32
      %dma_start3A_206 = tpu.memref_slice %arg4[%add3A_204, %dma_start3A_205] : memref<819200x256xf32, #tpu.memory_space<hbm>> -> memref<128x256xf32, #tpu.memory_space<hbm>>
      %dma_start3A_207 = arith.constant 0 : i32
      %dma_start3A_208 = tpu.memref_slice %arg4[%add3A_204, %dma_start3A_207] : memref<819200x256xf32, #tpu.memory_space<hbm>> -> memref<128x256xf32, #tpu.memory_space<hbm>>
      tpu.enqueue_dma source(%arg7 : memref<128x256xf32, #tpu.memory_space<vmem>>) target(%dma_start3A_208 : memref<128x256xf32, #tpu.memory_space<hbm>>) target_semaphore(%arg13 : memref<!tpu.dma_semaphore, #tpu.memory_space<semaphore_mem>>)
      %add3A_209 = arith.constant 2 : i32
      %add3A_210 = arith.addi %mul3A_118, %add3A_209 : i32
      %mul3A_211 = arith.constant 128 : i32
      %mul3A_212 = arith.muli %add3A_210, %mul3A_211 : i32
      %dma_wait3A_213 = tpu.memref_slice %arg5[%mul3A_212] : memref<25600xi32, #tpu.memory_space<vmem>> -> memref<128xi32, #tpu.memory_space<vmem>>
      %dma_wait3A_214 = arith.constant 0 : i32
      %dma_wait3A_215 = arith.constant 0 : i32
      %dma_wait3A_216 = tpu.memref_slice %arg3[%dma_wait3A_214, %dma_wait3A_215] : memref<100000x256xf32, #tpu.memory_space<hbm>> -> memref<100000x256xf32, #tpu.memory_space<hbm>>
      tpu.wait_indirect_dma semaphore(%arg11 : memref<!tpu.dma_semaphore, #tpu.memory_space<semaphore_mem>>) src(%dma_wait3A_216 : memref<100000x256xf32, #tpu.memory_space<hbm>>) dst(%arg8 : memref<128x256xf32, #tpu.memory_space<vmem>>)
      %add3A_217 = arith.constant 2 : i32
      %add3A_218 = arith.addi %mul3A_118, %add3A_217 : i32
      %mul3A_219 = arith.constant 128 : i32
      %mul3A_220 = arith.muli %add3A_218, %mul3A_219 : i32
      %add3A_221 = arith.addi %mul3A_2, %mul3A_220 : i32
      %dma_start3A_222 = arith.constant 0 : i32
      %dma_start3A_223 = tpu.memref_slice %arg4[%add3A_221, %dma_start3A_222] : memref<819200x256xf32, #tpu.memory_space<hbm>> -> memref<128x256xf32, #tpu.memory_space<hbm>>
      %dma_start3A_224 = arith.constant 0 : i32
      %dma_start3A_225 = tpu.memref_slice %arg4[%add3A_221, %dma_start3A_224] : memref<819200x256xf32, #tpu.memory_space<hbm>> -> memref<128x256xf32, #tpu.memory_space<hbm>>
      tpu.enqueue_dma source(%arg8 : memref<128x256xf32, #tpu.memory_space<vmem>>) target(%dma_start3A_225 : memref<128x256xf32, #tpu.memory_space<hbm>>) target_semaphore(%arg14 : memref<!tpu.dma_semaphore, #tpu.memory_space<semaphore_mem>>)
    }
    %scan3A_53 = arith.constant 65 : i32
    %add3A_54 = arith.constant 24960 : i32
    %add3A_55 = arith.addi %mul3A_2, %add3A_54 : i32
    %dma_wait3A_56 = arith.constant 0 : i32
    %dma_wait3A_57 = tpu.memref_slice %arg4[%add3A_55, %dma_wait3A_56] : memref<819200x256xf32, #tpu.memory_space<hbm>> -> memref<128x256xf32, #tpu.memory_space<hbm>>
    %dma_wait3A_58 = arith.constant 0 : i32
    %dma_wait3A_59 = tpu.memref_slice %arg4[%add3A_55, %dma_wait3A_58] : memref<819200x256xf32, #tpu.memory_space<hbm>> -> memref<128x256xf32, #tpu.memory_space<hbm>>
    tpu.wait_dma2 semaphore(%arg12 : memref<!tpu.dma_semaphore, #tpu.memory_space<semaphore_mem>>) src(%arg6 : memref<128x256xf32, #tpu.memory_space<vmem>>) dst(%dma_wait3A_59 : memref<128x256xf32, #tpu.memory_space<hbm>>)
    %dma_start3A_60 = arith.constant 25344 : i32
    %dma_start3A_61 = tpu.memref_slice %arg5[%dma_start3A_60] : memref<25600xi32, #tpu.memory_space<vmem>> -> memref<128xi32, #tpu.memory_space<vmem>>
    %dma_start3A_62 = arith.constant 0 : i32
    %dma_start3A_63 = arith.constant 0 : i32
    %dma_start3A_64 = tpu.memref_slice %arg3[%dma_start3A_62, %dma_start3A_63] : memref<100000x256xf32, #tpu.memory_space<hbm>> -> memref<100000x256xf32, #tpu.memory_space<hbm>>
    tpu.enqueue_indirect_dma source(%dma_start3A_64 : memref<100000x256xf32, #tpu.memory_space<hbm>>) target(%arg6 : memref<128x256xf32, #tpu.memory_space<vmem>>) offsets(%dma_start3A_61 : memref<128xi32, #tpu.memory_space<vmem>>) semaphore(%arg9 : memref<!tpu.dma_semaphore, #tpu.memory_space<semaphore_mem>>)
    %add3A_65 = arith.constant 25088 : i32
    %add3A_66 = arith.addi %mul3A_2, %add3A_65 : i32
    %dma_wait3A_67 = arith.constant 0 : i32
    %dma_wait3A_68 = tpu.memref_slice %arg4[%add3A_66, %dma_wait3A_67] : memref<819200x256xf32, #tpu.memory_space<hbm>> -> memref<128x256xf32, #tpu.memory_space<hbm>>
    %dma_wait3A_69 = arith.constant 0 : i32
    %dma_wait3A_70 = tpu.memref_slice %arg4[%add3A_66, %dma_wait3A_69] : memref<819200x256xf32, #tpu.memory_space<hbm>> -> memref<128x256xf32, #tpu.memory_space<hbm>>
    tpu.wait_dma2 semaphore(%arg13 : memref<!tpu.dma_semaphore, #tpu.memory_space<semaphore_mem>>) src(%arg7 : memref<128x256xf32, #tpu.memory_space<vmem>>) dst(%dma_wait3A_70 : memref<128x256xf32, #tpu.memory_space<hbm>>)
    %dma_start3A_71 = arith.constant 25472 : i32
    %dma_start3A_72 = tpu.memref_slice %arg5[%dma_start3A_71] : memref<25600xi32, #tpu.memory_space<vmem>> -> memref<128xi32, #tpu.memory_space<vmem>>
    %dma_start3A_73 = arith.constant 0 : i32
    %dma_start3A_74 = arith.constant 0 : i32
    %dma_start3A_75 = tpu.memref_slice %arg3[%dma_start3A_73, %dma_start3A_74] : memref<100000x256xf32, #tpu.memory_space<hbm>> -> memref<100000x256xf32, #tpu.memory_space<hbm>>
    tpu.enqueue_indirect_dma source(%dma_start3A_75 : memref<100000x256xf32, #tpu.memory_space<hbm>>) target(%arg7 : memref<128x256xf32, #tpu.memory_space<vmem>>) offsets(%dma_start3A_72 : memref<128xi32, #tpu.memory_space<vmem>>) semaphore(%arg10 : memref<!tpu.dma_semaphore, #tpu.memory_space<semaphore_mem>>)
    %dma_wait3A_76 = arith.constant 25344 : i32
    %dma_wait3A_77 = tpu.memref_slice %arg5[%dma_wait3A_76] : memref<25600xi32, #tpu.memory_space<vmem>> -> memref<128xi32, #tpu.memory_space<vmem>>
    %dma_wait3A_78 = arith.constant 0 : i32
    %dma_wait3A_79 = arith.constant 0 : i32
    %dma_wait3A_80 = tpu.memref_slice %arg3[%dma_wait3A_78, %dma_wait3A_79] : memref<100000x256xf32, #tpu.memory_space<hbm>> -> memref<100000x256xf32, #tpu.memory_space<hbm>>
    tpu.wait_indirect_dma semaphore(%arg9 : memref<!tpu.dma_semaphore, #tpu.memory_space<semaphore_mem>>) src(%dma_wait3A_80 : memref<100000x256xf32, #tpu.memory_space<hbm>>) dst(%arg6 : memref<128x256xf32, #tpu.memory_space<vmem>>)
    %add3A_81 = arith.constant 25344 : i32
    %add3A_82 = arith.addi %mul3A_2, %add3A_81 : i32
    %dma_start3A_83 = arith.constant 0 : i32
    %dma_start3A_84 = tpu.memref_slice %arg4[%add3A_82, %dma_start3A_83] : memref<819200x256xf32, #tpu.memory_space<hbm>> -> memref<128x256xf32, #tpu.memory_space<hbm>>
    %dma_start3A_85 = arith.constant 0 : i32
    %dma_start3A_86 = tpu.memref_slice %arg4[%add3A_82, %dma_start3A_85] : memref<819200x256xf32, #tpu.memory_space<hbm>> -> memref<128x256xf32, #tpu.memory_space<hbm>>
    tpu.enqueue_dma source(%arg6 : memref<128x256xf32, #tpu.memory_space<vmem>>) target(%dma_start3A_86 : memref<128x256xf32, #tpu.memory_space<hbm>>) target_semaphore(%arg12 : memref<!tpu.dma_semaphore, #tpu.memory_space<semaphore_mem>>)
    %dma_wait3A_87 = arith.constant 25472 : i32
    %dma_wait3A_88 = tpu.memref_slice %arg5[%dma_wait3A_87] : memref<25600xi32, #tpu.memory_space<vmem>> -> memref<128xi32, #tpu.memory_space<vmem>>
    %dma_wait3A_89 = arith.constant 0 : i32
    %dma_wait3A_90 = arith.constant 0 : i32
    %dma_wait3A_91 = tpu.memref_slice %arg3[%dma_wait3A_89, %dma_wait3A_90] : memref<100000x256xf32, #tpu.memory_space<hbm>> -> memref<100000x256xf32, #tpu.memory_space<hbm>>
    tpu.wait_indirect_dma semaphore(%arg10 : memref<!tpu.dma_semaphore, #tpu.memory_space<semaphore_mem>>) src(%dma_wait3A_91 : memref<100000x256xf32, #tpu.memory_space<hbm>>) dst(%arg7 : memref<128x256xf32, #tpu.memory_space<vmem>>)
    %add3A_92 = arith.constant 25472 : i32
    %add3A_93 = arith.addi %mul3A_2, %add3A_92 : i32
    %dma_start3A_94 = arith.constant 0 : i32
    %dma_start3A_95 = tpu.memref_slice %arg4[%add3A_93, %dma_start3A_94] : memref<819200x256xf32, #tpu.memory_space<hbm>> -> memref<128x256xf32, #tpu.memory_space<hbm>>
    %dma_start3A_96 = arith.constant 0 : i32
    %dma_start3A_97 = tpu.memref_slice %arg4[%add3A_93, %dma_start3A_96] : memref<819200x256xf32, #tpu.memory_space<hbm>> -> memref<128x256xf32, #tpu.memory_space<hbm>>
    tpu.enqueue_dma source(%arg7 : memref<128x256xf32, #tpu.memory_space<vmem>>) target(%dma_start3A_97 : memref<128x256xf32, #tpu.memory_space<hbm>>) target_semaphore(%arg13 : memref<!tpu.dma_semaphore, #tpu.memory_space<semaphore_mem>>)
    %add3A_98 = arith.constant 25216 : i32
    %add3A_99 = arith.addi %mul3A_2, %add3A_98 : i32
    %dma_wait3A_100 = arith.constant 0 : i32
    %dma_wait3A_101 = tpu.memref_slice %arg4[%add3A_99, %dma_wait3A_100] : memref<819200x256xf32, #tpu.memory_space<hbm>> -> memref<128x256xf32, #tpu.memory_space<hbm>>
    %dma_wait3A_102 = arith.constant 0 : i32
    %dma_wait3A_103 = tpu.memref_slice %arg4[%add3A_99, %dma_wait3A_102] : memref<819200x256xf32, #tpu.memory_space<hbm>> -> memref<128x256xf32, #tpu.memory_space<hbm>>
    tpu.wait_dma2 semaphore(%arg14 : memref<!tpu.dma_semaphore, #tpu.memory_space<semaphore_mem>>) src(%arg8 : memref<128x256xf32, #tpu.memory_space<vmem>>) dst(%dma_wait3A_103 : memref<128x256xf32, #tpu.memory_space<hbm>>)
    %add3A_104 = arith.constant 25344 : i32
    %add3A_105 = arith.addi %mul3A_2, %add3A_104 : i32
    %dma_wait3A_106 = arith.constant 0 : i32
    %dma_wait3A_107 = tpu.memref_slice %arg4[%add3A_105, %dma_wait3A_106] : memref<819200x256xf32, #tpu.memory_space<hbm>> -> memref<128x256xf32, #tpu.memory_space<hbm>>
    %dma_wait3A_108 = arith.constant 0 : i32
    %dma_wait3A_109 = tpu.memref_slice %arg4[%add3A_105, %dma_wait3A_108] : memref<819200x256xf32, #tpu.memory_space<hbm>> -> memref<128x256xf32, #tpu.memory_space<hbm>>
    tpu.wait_dma2 semaphore(%arg12 : memref<!tpu.dma_semaphore, #tpu.memory_space<semaphore_mem>>) src(%arg6 : memref<128x256xf32, #tpu.memory_space<vmem>>) dst(%dma_wait3A_109 : memref<128x256xf32, #tpu.memory_space<hbm>>)
    %add3A_110 = arith.constant 25472 : i32
    %add3A_111 = arith.addi %mul3A_2, %add3A_110 : i32
    %dma_wait3A_112 = arith.constant 0 : i32
    %dma_wait3A_113 = tpu.memref_slice %arg4[%add3A_111, %dma_wait3A_112] : memref<819200x256xf32, #tpu.memory_space<hbm>> -> memref<128x256xf32, #tpu.memory_space<hbm>>
    %dma_wait3A_114 = arith.constant 0 : i32
    %dma_wait3A_115 = tpu.memref_slice %arg4[%add3A_111, %dma_wait3A_114] : memref<819200x256xf32, #tpu.memory_space<hbm>> -> memref<128x256xf32, #tpu.memory_space<hbm>>
    tpu.wait_dma2 semaphore(%arg13 : memref<!tpu.dma_semaphore, #tpu.memory_space<semaphore_mem>>) src(%arg7 : memref<128x256xf32, #tpu.memory_space<vmem>>) dst(%dma_wait3A_115 : memref<128x256xf32, #tpu.memory_space<hbm>>)
    return
  }
}

</mosaic_0001>

<sc_bundles>
// kernel: kernel.3.cloned.1.call-start
scs
__scs_entry_jumppad:
0x0: {  	(pc) =	sbr.rel $0x88, $3  }
0x1: {  	(tag) =	ssettag $0x0;
	lr =	simm.s32 $0x1  }
0x2: {  	[smem:$0x3F9F] =	sst lr;
	_ =	strace $0xD0000000  }
0x3: {  	_ = 	snop  }
0x4: {  	_ = 	snop  }
0x5: {  	_ = 	snop  }
0x6: {  	_ = 	snop  }
0x7: {  	_ = 	snop  }
__scs_overlays_trampoline_lowered:
0x8: {  	[smem:$0x3FAE] =	sst s0  }
0x9: {  	[smem:$0x3FAF] =	sst s1  }
0xa: {  	[smem:$0x3FB0] =	sst s2  }
0xb: {  	[smem:$0x3FB1] =	sst s3  }
0xc: {  	[smem:$0x3FB2] =	sst s4  }
0xd: {  	[smem:$0x3FB3] =	sst s5  }
0xe: {  	[smem:$0x3FB4] =	sst s6  }
0xf: {  	[smem:$0x3FB5] =	sst s7  }
0x10: {  	[smem:$0x3FB6] =	sst s8  }
0x11: {  	[smem:$0x3FB7] =	sst s9;
	s0 =	simm.s32 @!p0 $0x0  }
0x12: {  	s1 =	sld [smem:$0x3F9D];
	s0 =	simm.s32 @p0 $0x1  }
0x13: {  	[smem:$0x3FB8] =	sst s0;
	s0 =	simm.s32 @!p1 $0x0  }
0x14: {  	s2 =	sld [smem:$0x3F9C];
	s0 =	simm.s32 @p1 $0x1  }
0x15: {  	[smem:$0x3FB9] =	sst s0;
	s0 =	simm.s32 @!p2 $0x0  }
0x16: {  	s3 =	sld [smem:$0x3FDB];
	s0 =	simm.s32 @p2 $0x1  }
0x17: {  	s4 =	simm.s32 $0x1BF5;
	[smem:$0x3FBB] =	sst s0  }
0x18: {  	s0 =	sld [smem:$0x3F9E];
	_ =	swait.ge [sflag:s4], $0x0  }
0x19: {  	s7 =	sld [smem:$0x3F9F]  }
0x1a: {  	s8 =	sadd.s32 $0xFFFFE003, lr  }
0x1b: {  	s9 =	sadd.s32 $0xFFFFFEF7, lr;
	s5 =	simm.s32 $0xFFFFFFFF;
	p2 =	slt.u32 s8, $0xFFFFF086  }
0x1c: {  	p1 =	slt.u32 s9, $0xF7A;
	s5 =	simm.s32 @!p2 $0x0  }
0x1d: {  	s5 =	simm.s32 @p1 $0x1;
	p0 =	seq.s32 s7, s2  }
0x1e: {  	s7 =	smul.u32 @!p0 $0xF7A, s2;
	p2 =	seq.s32 @!p0 s5, $0x0  }
0x1f: {  	s9 =	smul.u32 $0xF7A, s1;
	s8 =	simm.s32 @!p0 $0x1BF5;
	p2 =	por !p2, p0  }
0x20: {  	[sflag:s8] =	ssyncset.s32 @!p0 $0xFFFFF086;
	s6 =	sadd.s32 @!p0 s3, s7;
	s7 =	simm.s32 @!p0 $0x108  }
0x21: {  	s3 =	sadd.s32 s3, s9;
	s6 =	sadd.s32 @!p0 $0x88, s6;
	s7 =	simm.s32 @p2 $0x1082  }
0x22: {  	[simem:s7], [sflag:s8] =	dma.local @!p0 [hbm:s6], $0xF7A  }
0x23: {  	s9 =	sor.u32 $0xD0000000, s2;
	s6 =	simm.s32 $0x108;
	_ =	swait.ge @!p0 [sflag:s8], $0x0  }
0x24: {  	s3 =	sadd.s32 $0x88, s3;
	s6 =	simm.s32 @!p1 $0x1082;
	[sflag:s4] =	ssyncset.s32 $0xFFFFF086  }
0x25: {  	[simem:s6], [sflag:s4] =	dma.local [hbm:s3], $0xF7A  }
0x26: {  	[smem:$0x3F9F] =	sst s1;
	(tag) =	ssettag s2;
	_ =	strace s9  }
0x27: {  	s1 =	sld [smem:$0x3FAF]  }
0x28: {  	s2 =	sld [smem:$0x3FB0]  }
0x29: {  	s4 =	sld [smem:$0x3FB2]  }
0x2a: {  	p0 =	seq.s32 s5, $0x0;
	s5 =	sld [smem:$0x3FB3]  }
0x2b: {  	s6 =	sld [smem:$0x3FB4]  }
0x2c: {  	s7 =	sld [smem:$0x3FB5]  }
0x2d: {  	s3 =	simm.s32 $0x108;
	s8 =	sld [smem:$0x3FB6]  }
0x2e: {  	s3 =	simm.s32 @!p0 $0x1082;
	s9 =	sld [smem:$0x3FB7]  }
0x2f: {  	lr =	sadd.s32 s0, s3;
	s0 =	sld [smem:$0x3FAE]  }
0x30: {  	s3 =	sld [smem:$0x3FB1]  }
0x31: {  	[smem:$0x3FBA] =	sst s10  }
0x32: {  	s10 =	sld [smem:$0x3FB8];
	_ =	sdelay $0x3  }
0x33: {  	p0 =	seq.s32 s10, $0x1;
	s10 =	sld [smem:$0x3FBA];
	_ =	sdelay $0x3  }
0x34: {  	[smem:$0x3FBA] =	sst s10  }
0x35: {  	s10 =	sld [smem:$0x3FB9];
	_ =	sdelay $0x3  }
0x36: {  	p1 =	seq.s32 s10, $0x1;
	s10 =	sld [smem:$0x3FBA];
	_ =	sdelay $0x3  }
0x37: {  	[smem:$0x3FBA] =	sst s10  }
0x38: {  	s10 =	sld [smem:$0x3FBB]  }
0x39: {  	_ = 	snop;
	(pc) =	sbr.ind lr, $3  }
0x3a: {  	_ = 	snop  }
0x3b: {  	_ = 	snop  }
0x3c: {  	p2 =	seq.s32 s10, $0x1;
	s10 =	sld [smem:$0x3FBA]  }
0x3d: {  	_ =	shalt  }
0x3e: {  	_ =	shalt  }
0x3f: {  	_ =	shalt  }
0x40: {  	_ =	shalt  }
0x41: {  	_ =	shalt  }
0x42: {  	_ =	shalt  }
0x43: {  	_ =	shalt  }
0x44: {  	_ =	shalt  }
0x45: {  	_ =	shalt  }
0x46: {  	_ =	shalt  }
0x47: {  	_ =	shalt  }
0x48: {  	_ =	shalt  }
0x49: {  	_ =	shalt  }
0x4a: {  	_ =	shalt  }
0x4b: {  	_ =	shalt  }
0x4c: {  	_ =	shalt  }
0x4d: {  	_ =	shalt  }
0x4e: {  	_ =	shalt  }
0x4f: {  	_ =	shalt  }
0x50: {  	_ =	shalt  }
0x51: {  	_ =	shalt  }
0x52: {  	_ =	shalt  }
0x53: {  	_ =	shalt  }
0x54: {  	_ =	shalt  }
0x55: {  	_ =	shalt  }
0x56: {  	_ =	shalt  }
0x57: {  	_ =	shalt  }
0x58: {  	_ =	shalt  }
0x59: {  	_ =	shalt  }
0x5a: {  	_ =	shalt  }
0x5b: {  	_ =	shalt  }
0x5c: {  	_ =	shalt  }
0x5d: {  	_ =	shalt  }
0x5e: {  	_ =	shalt  }
0x5f: {  	_ =	shalt  }
0x60: {  	_ =	shalt  }
0x61: {  	_ =	shalt  }
0x62: {  	_ =	shalt  }
0x63: {  	_ =	shalt  }
0x64: {  	_ =	shalt  }
0x65: {  	_ =	shalt  }
0x66: {  	_ =	shalt  }
0x67: {  	_ =	shalt  }
0x68: {  	_ =	shalt  }
0x69: {  	_ =	shalt  }
0x6a: {  	_ =	shalt  }
0x6b: {  	_ =	shalt  }
0x6c: {  	_ =	shalt  }
0x6d: {  	_ =	shalt  }
0x6e: {  	_ =	shalt  }
0x6f: {  	_ =	shalt  }
0x70: {  	_ =	shalt  }
0x71: {  	_ =	shalt  }
0x72: {  	_ =	shalt  }
0x73: {  	_ =	shalt  }
0x74: {  	_ =	shalt  }
0x75: {  	_ =	shalt  }
0x76: {  	_ =	shalt  }
0x77: {  	_ =	shalt  }
0x78: {  	_ =	shalt  }
0x79: {  	_ =	shalt  }
0x7a: {  	_ =	shalt  }
0x7b: {  	_ =	shalt  }
0x7c: {  	_ =	shalt  }
0x7d: {  	_ =	shalt  }
0x7e: {  	_ =	shalt  }
0x7f: {  	_ =	shalt  }
0x80: {  	_ =	shalt  }
0x81: {  	_ =	shalt  }
0x82: {  	_ =	shalt  }
0x83: {  	_ =	shalt  }
0x84: {  	_ =	shalt  }
0x85: {  	_ =	shalt  }
0x86: {  	_ =	shalt  }
0x87: {  	_ =	shalt  }
.Lfunc_end0:
.L_simem_size_0:
called_computation.1_lowered:
.L_overlay_start_0:
0x88: {  	s2 =	sld [smem:$0x3FD9]  }
0x89: {  	s3 =	sld [smem:$0x3FFE];
	_ =	sdelay $0x1  }
0x8a: {  	s1 =	srdreg.scid  }
0x8b: {  	s0 =	sand.u32 $0x1, s1  }
0x8c: {  	s16 =	sshll.u32 s0, $0xA;
	s2 =	sadd.s32 s3, s2  }
0x8d: {  	s2 =	sadd.s32 s2, s16  }
0x8e: {  	[smem:$0x3FC6] =	sst s2  }
0x8f: {  	_ = 	snop  }
0x90: {  	(tm) =	ssettm $0x1  }
0x91: {  	s17 =	sld [smem:$0x3FFB];
	_ =	sdelay $0x3  }
0x92: {  	_ =	strace s17  }
0x93: {  	s2 =	sld [smem:$0x3FFC];
	_ =	sdelay $0x3  }
0x94: {  	_ =	strace s2  }
0x95: {  	s2 =	sld [smem:$0x3FFD];
	_ =	sdelay $0x3  }
0x96: {  	_ =	strace s2  }
0x97: {  	_ =	strace $0x8FFFFFFF  }
0x98: {  	s18 =	sld [smem:$0x3FDB];
	_ =	sdelay $0x1  }
0x99: {  	s19 =	simm.s32 $_scs_section_size  }
0x9a: {  	s4 =	simm.s32 $_size__tile_overlayer_lowered;
	s5 =	simm.s32 $_tile_overlayer_lowered  }
0x9b: {  	s22 =	simm.s32 $0x1BFF;
	s21 =	sshll.u32 s5, $0x1;
	s2 =	sadd.s32 s19, s18  }
0x9c: {  	s6 =	simm.s32 $0x0;
	s20 =	sshll.u32 s4, $0x1;
	s4 =	sadd.s32 s21, s2  }
0x9d: {  	[timem:s6], [sflag:s22] =	dma.local [hbm:s4], s20  }
0x9e: {  	_ =	swait.ge [sflag:s22], s20  }
0x9f: {  	s3 =	ssub.s32 $0x0, s20;
	[sflag:s22] =	ssyncset.done $0x0  }
0xa0: {  	[sflag:s22] =	ssyncadd.s32 s3;
	_ =	sdelay $0x1  }
0xa1: {  	s23 =	simm.s32 $0x1B8B  }
0xa2: {  	_ =	swait.ge [sflag:s23], $0x1  }
0xa3: {  	[sflag:s23] =	ssyncset.done $0x0  }
0xa4: {  	s25 =	simm.s32 $0x1B8E;
	s24 =	sld [smem:$0x3FFE];
	[sflag:s23] =	ssyncadd.s32 $0xFFFFFFFF  }
0xa5: {  	s26 =	simm.s32 $execute0_lowered;
	[smem:$0x3FD2] =	sst s25  }
0xa6: {  	s4 =	sshll.u32 s26, $0x1;
	_ =	strace $0x80000046;
	[dreg:$0x1] =	wrdreg $0xFFFFFFFF  }
0xa7: {  	s28 =	simm.s32 $_size_execute0_lowered;
	s2 =	sadd.s32 s2, s4;
	[dreg:$0x0] =	wrdreg $0x0  }
0xa8: {  	s4 =	sshll.u32 s28, $0x1;
	[dreg:$0x2] =	wrdreg s2  }
0xa9: {  	[dreg:$0x3] =	wrdreg s4  }
0xaa: {  	[dreg:$0x4] =	wrdreg $0xC0  }
0xab: {  	_ =	task [dreg:s6], $0x5FFFF  }
0xac: {  	[dreg:$0x1] =	wrdreg $0xFFFFFFFF  }
0xad: {  	[dreg:$0x0] =	wrdreg $0x60  }
0xae: {  	[dreg:$0x2] =	wrdreg s24  }
0xaf: {  	[dreg:$0x3] =	wrdreg $0x9  }
0xb0: {  	_ =	task.clear_ibuf [dreg:s6], $0x4FFFF;
	_ =	strace $0x90000046  }
0xb1: {  	s29 =	simm.s32 $0x9;
	_ =	strace $0x80000048  }
0xb2: {  	_ =	swait.ge [sflag:s29], $0x1  }
0xb3: {  	[sflag:s29] =	ssyncadd.s32 $0xFFFFFFFF  }
0xb4: {  	_ =	strace $0x90000048  }
0xb5: {  	_ =	sfence  }
0xb6: {  	s30 =	sld [smem:$0x0];
	_ =	sdelay $0x2  }
0xb7: {  	s31 =	sshll.u32 s1, $0xD;
	s1 =	sshrl.u32 s1, $0x2  }
0xb8: {  	s3 =	sand.u32 $0x4000, s31;
	s1 =	sadd.s32 s1, s30  }
0xb9: {  	s0 =	sor.u32 s3, s0;
	s1 =	sshll.u32 s1, $0x11  }
0xba: {  	s0 =	sor.u32 s1, s0  }
0xbb: {  	s0 =	sadd.s32 $0x8F2B, s0  }
0xbc: {  	[sflag:s0] =	ssyncadd.remote.s32 $0x1  }
0xbd: {  	_ =	sfence.sel $0xFFFF  }
0xbe: {  	[dreg:$0x0] =	wrdreg $0xFFFFFFFF;
	(pc) =	sbr.abs _section_cstart, $3  }
0xbf: {  	[dreg:$0x1] =	wrdreg $0xFFFFFFFF  }
0xc0: {  	_ =	task.clear_ibuf [dreg:s6], $0x2FFFF;
	_ =	strace $0x9FFFFFFF  }
0xc1: {  	(tm) =	ssettm $0x7FFFFFFF  }
tec
execute0_lowered:
.L_overlay_start_1:
0x0: {  	(tag) =	ssettag $0x1  }
0x1: {  	s0 =	srdreg.scid  }
0x2: {  	s9 =	stileid.u32;
	s4 =	rddreg [dreg:$0x0];
	s2 =	simm.s32 $0x0  }
0x3: {  	s12 =	simm.s32 $0x6400;
	s29 =	simm.s32 $0xE400;
	s14 =	simm.s32 $0x15400  }
0x4: {  	s15 =	simm.s32 $0x15C00;
	s16 =	simm.s32 $0x16400;
	s31 =	simm.s32 $0x16C00  }
0x5: {  	s20 =	simm.s32 $0x17400;
	s23 =	simm.s32 $0x18400;
	s18 =	simm.s32 $0x19C00  }
0x6: {  	s10 =	simm.s32 $0x1C400;
	s11 =	simm.s32 $0x1D400;
	s13 =	simm.s32 $0x1DC00  }
0x7: {  	s21 =	simm.s32 $0x1;
	s19 =	simm.s32 $0x3;
	s28 =	simm.s32 $0x4  }
0x8: {  	s0 =	sand.u32 $0x1, s0;
	s1 =	sshll.u32 s9, $0x1;
	s24 =	smul.u32 $0x190000, s9  }
0x9: {  	s1 =	sor.u32 s0, s1;
	s6 =	ssub.s32 $0x2, s0;
	s0 =	smul.u32 $0xC8000, s0  }
0xa: {  	s22 =	simm.s32 $0x5;
	s17 =	simm.s32 $0x6;
	s3 =	smul.u32 $0x6400, s1  }
0xb: {  	[smem:$0x7FF] =	sst s2;
	s9 =	simm.s32 $0x1BC00;
	s7 =	smul.u32 $0xC8000, s1  }
0xc: {  	_ =	strace $0x80000047;
	s8 =	sshrl.u32 s6, $0x1;
	s1 =	smul.u32 $0x640000, s1  }
0xd: {  	s6 =	ssub.s32 s6, s8;
	s8 =	simm.s32 $0x1B400;
	s3 =	sshrl.u32 s3, $0x3  }
0xe: {  	s30 =	smax.u32 s6, $0x1;
	s5 =	sadd.s32 s3, s4;
	s3 =	sadd.s32 $0x19800, s4  }
0xf: {  	s4 =	sadd.s32 $0x326C00, s4;
	[dreg:$0x9] =	wrdreg s30;
	s5 =	sadd.s32 $0x800, s5  }
0x10: {  	s1 =	sshrl.u32 s1, $0x3;
	s7 =	sadd.s32 s4, s7;
	[dreg:$0x3] =	wrdreg s5  }
0x11: {  	s6 =	simm.s32 $0x19400;
	s25 =	sadd.s32 $0x1000, s7;
	[dreg:$0x4] =	wrdreg s7  }
0x12: {  	s1 =	sadd.s32 s4, s1;
	s7 =	sadd.s32 $0x2000, s7;
	[dreg:$0x5] =	wrdreg s25  }
0x13: {  	s4 =	sadd.s32 s24, s4;
	s26 =	sadd.s32 $0xC6000, s1;
	[dreg:$0x6] =	wrdreg s7  }
0x14: {  	s24 =	simm.s32 $0x1AC00;
	s1 =	sadd.s32 $0xC7000, s1;
	[dreg:$0x7] =	wrdreg s26  }
0x15: {  	v2 =	vlaneseq.u32;
	s0 =	sadd.s32 s0, s4;
	s4 =	simm.s32 $0x18C00;
	[dreg:$0x8] =	wrdreg s1  }
0x16: {  	vm0 =	vmmov $0xffff;
	v1 =	vshrl.u32 v2, $0x3;
	s5 =	simm.s32 $0x1CC00;
	[dreg:$0x2] =	wrdreg s0;
	s0 =	simm.s32 $0x17C00  }
0x17: {  	v0 =	vand.u32 $0x7, v2;
	v2 =	vor.u32 $0x8, v2;
	v1 =	vmul.u32 $0x8, v1;
	s7 =	simm.s32 $0x1A400;
	s26 =	simm.s32 $0x2;
	s25 =	simm.s32 $0x0  }
.LBB2_1:
0x18: {  	[dreg:$0xa] =	wrdreg s25  }
0x19: {  	s1 =	rddreg [dreg:$0x3];
	s25 =	simm.s32 $0x7  }
0x1a: {  	[tilespmem:s2], [sflag:$0x7] =	stream.linear.gather [hbm4b:s1+s2], $0x6400, $0x38;
	[tilespmem:$0x1E400] =	vst v63  }
0x1b: {  	_ =	swait.ge [sflag:s25], $0x6400  }
0x1c: {  	[sflag:s25] =	ssyncset.done $0x0  }
0x1d: {  	[sflag:s25] =	ssyncadd.s32 $0xFFFF9C00  }
0x1e: {  	v3 =	vld [tilespmem:$0x0];
	_ =	sdelay $0x4  }
0x1f: {  	v4 =	vshll.u32 v3, $0x1  }
0x20: {  	v3 =	vand.u32 $0x7, v3;
	v4 =	vand.u32 $0xFFFFFFF0, v4  }
0x21: {  	v3 =	vor.u32 v3, v4  }
0x22: {  	v4 =	vperm.xlane v3, v0;
	_ =	sdelay $0x1  }
0x23: {  	v3 =	vperm.xlane v3, v2;
	v4 =	vadd.s32 v1, v4;
	_ =	sdelay $0x1  }
0x24: {  	v3 =	vadd.s32 v1, v3;
	_ =	sdelay $0x2  }
0x25: {  	[tilespmem:s12], [sflag:$0x1] =	stream.indirect_vreg.gather [hbm4b:s3+s2], $0x80, v4, vm0, $0xb8;
	[tilespmem:$0x1E400] =	vst v63  }
0x26: {  	s25 =	simm.s32 $0x6C00  }
0x27: {  	[tilespmem:s25], [sflag:$0x1] =	stream.indirect_vreg.gather [hbm4b:s3+s2], $0x80, v3, vm0, $0xb8;
	[tilespmem:$0x1E400] =	vst v63  }
0x28: {  	v3 =	vld [tilespmem:$0x10];
	_ =	sdelay $0x4  }
0x29: {  	v41 =	vshll.u32 v3, $0x1  }
0x2a: {  	v3 =	vand.u32 $0x7, v3;
	v4 =	vand.u32 $0xFFFFFFF0, v41  }
0x2b: {  	v3 =	vor.u32 v3, v4  }
0x2c: {  	v4 =	vperm.xlane v3, v0;
	_ =	sdelay $0x1  }
0x2d: {  	v3 =	vperm.xlane v3, v2;
	v4 =	vadd.s32 v1, v4;
	_ =	sdelay $0x1  }
0x2e: {  	v3 =	vadd.s32 v1, v3;
	_ =	sdelay $0x1  }
0x2f: {  	s25 =	simm.s32 $0x7400  }
0x30: {  	[tilespmem:s25], [sflag:$0x1] =	stream.indirect_vreg.gather [hbm4b:s3+s2], $0x80, v4, vm0, $0xb8;
	[tilespmem:$0x1E400] =	vst v63  }
0x31: {  	s25 =	simm.s32 $0x7C00  }
0x32: {  	[tilespmem:s25], [sflag:$0x1] =	stream.indirect_vreg.gather [hbm4b:s3+s2], $0x80, v3, vm0, $0xb8;
	[tilespmem:$0x1E400] =	vst v63  }
0x33: {  	v3 =	vld [tilespmem:$0x20];
	_ =	sdelay $0x4  }
0x34: {  	v42 =	vshll.u32 v3, $0x1  }
0x35: {  	v3 =	vand.u32 $0x7, v3;
	v4 =	vand.u32 $0xFFFFFFF0, v42  }
0x36: {  	v3 =	vor.u32 v3, v4  }
0x37: {  	v4 =	vperm.xlane v3, v0;
	_ =	sdelay $0x1  }
0x38: {  	v3 =	vperm.xlane v3, v2;
	v4 =	vadd.s32 v1, v4;
	_ =	sdelay $0x1  }
0x39: {  	v3 =	vadd.s32 v1, v3;
	_ =	sdelay $0x1  }
0x3a: {  	s25 =	simm.s32 $0x8400  }
0x3b: {  	[tilespmem:s25], [sflag:$0x1] =	stream.indirect_vreg.gather [hbm4b:s3+s2], $0x80, v4, vm0, $0xb8;
	[tilespmem:$0x1E400] =	vst v63  }
0x3c: {  	s25 =	simm.s32 $0x8C00  }
0x3d: {  	[tilespmem:s25], [sflag:$0x1] =	stream.indirect_vreg.gather [hbm4b:s3+s2], $0x80, v3, vm0, $0xb8;
	[tilespmem:$0x1E400] =	vst v63  }
0x3e: {  	v3 =	vld [tilespmem:$0x30];
	_ =	sdelay $0x4  }
0x3f: {  	v43 =	vshll.u32 v3, $0x1  }
0x40: {  	v3 =	vand.u32 $0x7, v3;
	v4 =	vand.u32 $0xFFFFFFF0, v43  }
0x41: {  	v3 =	vor.u32 v3, v4  }
0x42: {  	v4 =	vperm.xlane v3, v0;
	_ =	sdelay $0x1  }
0x43: {  	v3 =	vperm.xlane v3, v2;
	v4 =	vadd.s32 v1, v4;
	_ =	sdelay $0x1  }
0x44: {  	v3 =	vadd.s32 v1, v3;
	_ =	sdelay $0x1  }
0x45: {  	s25 =	simm.s32 $0x9400  }
0x46: {  	[tilespmem:s25], [sflag:$0x1] =	stream.indirect_vreg.gather [hbm4b:s3+s2], $0x80, v4, vm0, $0xb8;
	[tilespmem:$0x1E400] =	vst v63  }
0x47: {  	s25 =	simm.s32 $0x9C00  }
0x48: {  	[tilespmem:s25], [sflag:$0x1] =	stream.indirect_vreg.gather [hbm4b:s3+s2], $0x80, v3, vm0, $0xb8;
	[tilespmem:$0x1E400] =	vst v63  }
0x49: {  	v3 =	vld [tilespmem:$0x40];
	_ =	sdelay $0x4  }
0x4a: {  	v44 =	vshll.u32 v3, $0x1  }
0x4b: {  	v3 =	vand.u32 $0x7, v3;
	v4 =	vand.u32 $0xFFFFFFF0, v44  }
0x4c: {  	v3 =	vor.u32 v3, v4  }
0x4d: {  	v4 =	vperm.xlane v3, v0;
	_ =	sdelay $0x1  }
0x4e: {  	v3 =	vperm.xlane v3, v2;
	v4 =	vadd.s32 v1, v4;
	_ =	sdelay $0x1  }
0x4f: {  	v3 =	vadd.s32 v1, v3;
	_ =	sdelay $0x1  }
0x50: {  	s25 =	simm.s32 $0xA400  }
0x51: {  	[tilespmem:s25], [sflag:$0x1] =	stream.indirect_vreg.gather [hbm4b:s3+s2], $0x80, v4, vm0, $0xb8;
	[tilespmem:$0x1E400] =	vst v63  }
0x52: {  	s25 =	simm.s32 $0xAC00  }
0x53: {  	[tilespmem:s25], [sflag:$0x1] =	stream.indirect_vreg.gather [hbm4b:s3+s2], $0x80, v3, vm0, $0xb8;
	[tilespmem:$0x1E400] =	vst v63  }
0x54: {  	v3 =	vld [tilespmem:$0x50];
	_ =	sdelay $0x4  }
0x55: {  	v45 =	vshll.u32 v3, $0x1  }
0x56: {  	v3 =	vand.u32 $0x7, v3;
	v4 =	vand.u32 $0xFFFFFFF0, v45  }
0x57: {  	v3 =	vor.u32 v3, v4  }
0x58: {  	v4 =	vperm.xlane v3, v0;
	_ =	sdelay $0x1  }
0x59: {  	v3 =	vperm.xlane v3, v2;
	v4 =	vadd.s32 v1, v4;
	_ =	sdelay $0x1  }
0x5a: {  	v3 =	vadd.s32 v1, v3;
	_ =	sdelay $0x1  }
0x5b: {  	s25 =	simm.s32 $0xB400  }
0x5c: {  	[tilespmem:s25], [sflag:$0x1] =	stream.indirect_vreg.gather [hbm4b:s3+s2], $0x80, v4, vm0, $0xb8;
	[tilespmem:$0x1E400] =	vst v63  }
0x5d: {  	s25 =	simm.s32 $0xBC00  }
0x5e: {  	[tilespmem:s25], [sflag:$0x1] =	stream.indirect_vreg.gather [hbm4b:s3+s2], $0x80, v3, vm0, $0xb8;
	[tilespmem:$0x1E400] =	vst v63  }
0x5f: {  	v3 =	vld [tilespmem:$0x60];
	_ =	sdelay $0x4  }
0x60: {  	v46 =	vshll.u32 v3, $0x1  }
0x61: {  	v3 =	vand.u32 $0x7, v3;
	v4 =	vand.u32 $0xFFFFFFF0, v46  }
0x62: {  	v3 =	vor.u32 v3, v4  }
0x63: {  	v4 =	vperm.xlane v3, v0;
	_ =	sdelay $0x1  }
0x64: {  	v3 =	vperm.xlane v3, v2;
	v4 =	vadd.s32 v1, v4;
	_ =	sdelay $0x1  }
0x65: {  	v3 =	vadd.s32 v1, v3;
	_ =	sdelay $0x1  }
0x66: {  	s25 =	simm.s32 $0xC400  }
0x67: {  	[tilespmem:s25], [sflag:$0x1] =	stream.indirect_vreg.gather [hbm4b:s3+s2], $0x80, v4, vm0, $0xb8;
	[tilespmem:$0x1E400] =	vst v63  }
0x68: {  	s25 =	simm.s32 $0xCC00  }
0x69: {  	[tilespmem:s25], [sflag:$0x1] =	stream.indirect_vreg.gather [hbm4b:s3+s2], $0x80, v3, vm0, $0xb8;
	[tilespmem:$0x1E400] =	vst v63  }
0x6a: {  	v3 =	vld [tilespmem:$0x70];
	_ =	sdelay $0x4  }
0x6b: {  	v47 =	vshll.u32 v3, $0x1  }
0x6c: {  	v3 =	vand.u32 $0x7, v3;
	v4 =	vand.u32 $0xFFFFFFF0, v47  }
0x6d: {  	v3 =	vor.u32 v3, v4  }
0x6e: {  	v4 =	vperm.xlane v3, v0;
	_ =	sdelay $0x1  }
0x6f: {  	v3 =	vperm.xlane v3, v2;
	v4 =	vadd.s32 v1, v4;
	_ =	sdelay $0x1  }
0x70: {  	v3 =	vadd.s32 v1, v3;
	_ =	sdelay $0x1  }
0x71: {  	s25 =	simm.s32 $0xD400  }
0x72: {  	[tilespmem:s25], [sflag:$0x1] =	stream.indirect_vreg.gather [hbm4b:s3+s2], $0x80, v4, vm0, $0xb8;
	[tilespmem:$0x1E400] =	vst v63  }
0x73: {  	s25 =	simm.s32 $0xDC00  }
0x74: {  	[tilespmem:s25], [sflag:$0x1] =	stream.indirect_vreg.gather [hbm4b:s3+s2], $0x80, v3, vm0, $0xb8;
	[tilespmem:$0x1E400] =	vst v63  }
0x75: {  	v3 =	vld [tilespmem:$0x80];
	_ =	sdelay $0x4  }
0x76: {  	v48 =	vshll.u32 v3, $0x1  }
0x77: {  	v3 =	vand.u32 $0x7, v3;
	v4 =	vand.u32 $0xFFFFFFF0, v48  }
0x78: {  	v3 =	vor.u32 v3, v4  }
0x79: {  	v4 =	vperm.xlane v3, v0;
	_ =	sdelay $0x1  }
0x7a: {  	v3 =	vperm.xlane v3, v2;
	v4 =	vadd.s32 v1, v4;
	_ =	sdelay $0x1  }
0x7b: {  	v3 =	vadd.s32 v1, v3;
	_ =	sdelay $0x2  }
0x7c: {  	[tilespmem:s29], [sflag:$0x2] =	stream.indirect_vreg.gather [hbm4b:s3+s2], $0x80, v4, vm0, $0xb8;
	[tilespmem:$0x1E400] =	vst v63  }
0x7d: {  	s25 =	simm.s32 $0xEC00  }
0x7e: {  	[tilespmem:s25], [sflag:$0x2] =	stream.indirect_vreg.gather [hbm4b:s3+s2], $0x80, v3, vm0, $0xb8;
	[tilespmem:$0x1E400] =	vst v63  }
0x7f: {  	v3 =	vld [tilespmem:$0x90];
	_ =	sdelay $0x4  }
0x80: {  	v49 =	vshll.u32 v3, $0x1  }
0x81: {  	v3 =	vand.u32 $0x7, v3;
	v4 =	vand.u32 $0xFFFFFFF0, v49  }
0x82: {  	v3 =	vor.u32 v3, v4  }
0x83: {  	v4 =	vperm.xlane v3, v0;
	_ =	sdelay $0x1  }
0x84: {  	v3 =	vperm.xlane v3, v2;
	v4 =	vadd.s32 v1, v4;
	_ =	sdelay $0x1  }
0x85: {  	v3 =	vadd.s32 v1, v3;
	_ =	sdelay $0x1  }
0x86: {  	s25 =	simm.s32 $0xF400  }
0x87: {  	[tilespmem:s25], [sflag:$0x2] =	stream.indirect_vreg.gather [hbm4b:s3+s2], $0x80, v4, vm0, $0xb8;
	[tilespmem:$0x1E400] =	vst v63  }
0x88: {  	s25 =	simm.s32 $0xFC00  }
0x89: {  	[tilespmem:s25], [sflag:$0x2] =	stream.indirect_vreg.gather [hbm4b:s3+s2], $0x80, v3, vm0, $0xb8;
	[tilespmem:$0x1E400] =	vst v63  }
0x8a: {  	v3 =	vld [tilespmem:$0xA0];
	_ =	sdelay $0x4  }
0x8b: {  	v50 =	vshll.u32 v3, $0x1  }
0x8c: {  	v3 =	vand.u32 $0x7, v3;
	v4 =	vand.u32 $0xFFFFFFF0, v50  }
0x8d: {  	v3 =	vor.u32 v3, v4  }
0x8e: {  	v4 =	vperm.xlane v3, v0;
	_ =	sdelay $0x1  }
0x8f: {  	v3 =	vperm.xlane v3, v2;
	v4 =	vadd.s32 v1, v4;
	_ =	sdelay $0x1  }
0x90: {  	v3 =	vadd.s32 v1, v3;
	_ =	sdelay $0x1  }
0x91: {  	s25 =	simm.s32 $0x10400  }
0x92: {  	[tilespmem:s25], [sflag:$0x2] =	stream.indirect_vreg.gather [hbm4b:s3+s2], $0x80, v4, vm0, $0xb8;
	[tilespmem:$0x1E400] =	vst v63  }
0x93: {  	s25 =	simm.s32 $0x10C00  }
0x94: {  	[tilespmem:s25], [sflag:$0x2] =	stream.indirect_vreg.gather [hbm4b:s3+s2], $0x80, v3, vm0, $0xb8;
	[tilespmem:$0x1E400] =	vst v63  }
0x95: {  	v3 =	vld [tilespmem:$0xB0];
	_ =	sdelay $0x4  }
0x96: {  	v51 =	vshll.u32 v3, $0x1  }
0x97: {  	v3 =	vand.u32 $0x7, v3;
	v4 =	vand.u32 $0xFFFFFFF0, v51  }
0x98: {  	v3 =	vor.u32 v3, v4  }
0x99: {  	v4 =	vperm.xlane v3, v0;
	_ =	sdelay $0x1  }
0x9a: {  	v3 =	vperm.xlane v3, v2;
	v4 =	vadd.s32 v1, v4;
	_ =	sdelay $0x1  }
0x9b: {  	v3 =	vadd.s32 v1, v3;
	_ =	sdelay $0x1  }
0x9c: {  	s25 =	simm.s32 $0x11400  }
0x9d: {  	[tilespmem:s25], [sflag:$0x2] =	stream.indirect_vreg.gather [hbm4b:s3+s2], $0x80, v4, vm0, $0xb8;
	[tilespmem:$0x1E400] =	vst v63  }
0x9e: {  	s25 =	simm.s32 $0x11C00  }
0x9f: {  	[tilespmem:s25], [sflag:$0x2] =	stream.indirect_vreg.gather [hbm4b:s3+s2], $0x80, v3, vm0, $0xb8;
	[tilespmem:$0x1E400] =	vst v63  }
0xa0: {  	v3 =	vld [tilespmem:$0xC0];
	_ =	sdelay $0x4  }
0xa1: {  	v52 =	vshll.u32 v3, $0x1  }
0xa2: {  	v3 =	vand.u32 $0x7, v3;
	v4 =	vand.u32 $0xFFFFFFF0, v52  }
0xa3: {  	v3 =	vor.u32 v3, v4  }
0xa4: {  	v4 =	vperm.xlane v3, v0;
	_ =	sdelay $0x1  }
0xa5: {  	v3 =	vperm.xlane v3, v2;
	v4 =	vadd.s32 v1, v4;
	_ =	sdelay $0x1  }
0xa6: {  	v3 =	vadd.s32 v1, v3;
	_ =	sdelay $0x1  }
0xa7: {  	s25 =	simm.s32 $0x12400  }
0xa8: {  	[tilespmem:s25], [sflag:$0x2] =	stream.indirect_vreg.gather [hbm4b:s3+s2], $0x80, v4, vm0, $0xb8;
	[tilespmem:$0x1E400] =	vst v63  }
0xa9: {  	s25 =	simm.s32 $0x12C00  }
0xaa: {  	[tilespmem:s25], [sflag:$0x2] =	stream.indirect_vreg.gather [hbm4b:s3+s2], $0x80, v3, vm0, $0xb8;
	[tilespmem:$0x1E400] =	vst v63  }
0xab: {  	v3 =	vld [tilespmem:$0xD0];
	_ =	sdelay $0x4  }
0xac: {  	v53 =	vshll.u32 v3, $0x1  }
0xad: {  	v3 =	vand.u32 $0x7, v3;
	v4 =	vand.u32 $0xFFFFFFF0, v53  }
0xae: {  	v3 =	vor.u32 v3, v4  }
0xaf: {  	v4 =	vperm.xlane v3, v0;
	_ =	sdelay $0x1  }
0xb0: {  	v3 =	vperm.xlane v3, v2;
	v4 =	vadd.s32 v1, v4;
	_ =	sdelay $0x1  }
0xb1: {  	v3 =	vadd.s32 v1, v3;
	_ =	sdelay $0x1  }
0xb2: {  	s25 =	simm.s32 $0x13400  }
0xb3: {  	[tilespmem:s25], [sflag:$0x2] =	stream.indirect_vreg.gather [hbm4b:s3+s2], $0x80, v4, vm0, $0xb8;
	[tilespmem:$0x1E400] =	vst v63  }
0xb4: {  	s25 =	simm.s32 $0x13C00  }
0xb5: {  	[tilespmem:s25], [sflag:$0x2] =	stream.indirect_vreg.gather [hbm4b:s3+s2], $0x80, v3, vm0, $0xb8;
	[tilespmem:$0x1E400] =	vst v63  }
0xb6: {  	v3 =	vld [tilespmem:$0xE0];
	_ =	sdelay $0x4  }
0xb7: {  	v54 =	vshll.u32 v3, $0x1  }
0xb8: {  	v3 =	vand.u32 $0x7, v3;
	v4 =	vand.u32 $0xFFFFFFF0, v54  }
0xb9: {  	v3 =	vor.u32 v3, v4  }
0xba: {  	v4 =	vperm.xlane v3, v0;
	_ =	sdelay $0x1  }
0xbb: {  	v3 =	vperm.xlane v3, v2;
	v4 =	vadd.s32 v1, v4;
	_ =	sdelay $0x1  }
0xbc: {  	v3 =	vadd.s32 v1, v3;
	_ =	sdelay $0x1  }
0xbd: {  	s25 =	simm.s32 $0x14400  }
0xbe: {  	[tilespmem:s25], [sflag:$0x2] =	stream.indirect_vreg.gather [hbm4b:s3+s2], $0x80, v4, vm0, $0xb8;
	[tilespmem:$0x1E400] =	vst v63  }
0xbf: {  	s25 =	simm.s32 $0x14C00  }
0xc0: {  	[tilespmem:s25], [sflag:$0x2] =	stream.indirect_vreg.gather [hbm4b:s3+s2], $0x80, v3, vm0, $0xb8;
	[tilespmem:$0x1E400] =	vst v63  }
0xc1: {  	v3 =	vld [tilespmem:$0xF0];
	_ =	sdelay $0x4  }
0xc2: {  	v55 =	vshll.u32 v3, $0x1  }
0xc3: {  	v3 =	vand.u32 $0x7, v3;
	v4 =	vand.u32 $0xFFFFFFF0, v55  }
0xc4: {  	v3 =	vor.u32 v3, v4  }
0xc5: {  	v4 =	vperm.xlane v3, v0;
	_ =	sdelay $0x1  }
0xc6: {  	v3 =	vperm.xlane v3, v2;
	v4 =	vadd.s32 v1, v4;
	_ =	sdelay $0x1  }
0xc7: {  	v3 =	vadd.s32 v1, v3;
	_ =	sdelay $0x2  }
0xc8: {  	[tilespmem:s14], [sflag:$0x2] =	stream.indirect_vreg.gather [hbm4b:s3+s2], $0x80, v4, vm0, $0xb8;
	[tilespmem:$0x1E400] =	vst v63  }
0xc9: {  	_ = 	snop  }
0xca: {  	[tilespmem:s15], [sflag:$0x2] =	stream.indirect_vreg.gather [hbm4b:s3+s2], $0x80, v3, vm0, $0xb8;
	[tilespmem:$0x1E400] =	vst v63  }
0xcb: {  	v3 =	vld [tilespmem:$0x100];
	_ =	sdelay $0x4  }
0xcc: {  	v56 =	vshll.u32 v3, $0x1  }
0xcd: {  	v3 =	vand.u32 $0x7, v3;
	v4 =	vand.u32 $0xFFFFFFF0, v56  }
0xce: {  	v3 =	vor.u32 v3, v4  }
0xcf: {  	v4 =	vperm.xlane v3, v0;
	_ =	sdelay $0x1  }
0xd0: {  	v3 =	vperm.xlane v3, v2;
	v4 =	vadd.s32 v1, v4;
	_ =	sdelay $0x1  }
0xd1: {  	v3 =	vadd.s32 v1, v3;
	_ =	sdelay $0x2  }
0xd2: {  	[tilespmem:s16], [sflag:$0x3] =	stream.indirect_vreg.gather [hbm4b:s3+s2], $0x80, v4, vm0, $0xb8;
	[tilespmem:$0x1E400] =	vst v63  }
0xd3: {  	_ = 	snop  }
0xd4: {  	[tilespmem:s31], [sflag:$0x3] =	stream.indirect_vreg.gather [hbm4b:s3+s2], $0x80, v3, vm0, $0xb8;
	[tilespmem:$0x1E400] =	vst v63  }
0xd5: {  	v3 =	vld [tilespmem:$0x110];
	_ =	sdelay $0x4  }
0xd6: {  	v57 =	vshll.u32 v3, $0x1  }
0xd7: {  	v3 =	vand.u32 $0x7, v3;
	v4 =	vand.u32 $0xFFFFFFF0, v57  }
0xd8: {  	v3 =	vor.u32 v3, v4  }
0xd9: {  	v4 =	vperm.xlane v3, v0;
	_ =	sdelay $0x1  }
0xda: {  	v3 =	vperm.xlane v3, v2;
	v4 =	vadd.s32 v1, v4;
	_ =	sdelay $0x1  }
0xdb: {  	v3 =	vadd.s32 v1, v3;
	_ =	sdelay $0x2  }
0xdc: {  	[tilespmem:s20], [sflag:$0x3] =	stream.indirect_vreg.gather [hbm4b:s3+s2], $0x80, v4, vm0, $0xb8;
	[tilespmem:$0x1E400] =	vst v63  }
0xdd: {  	_ = 	snop  }
0xde: {  	[tilespmem:s0], [sflag:$0x3] =	stream.indirect_vreg.gather [hbm4b:s3+s2], $0x80, v3, vm0, $0xb8;
	[tilespmem:$0x1E400] =	vst v63  }
0xdf: {  	v3 =	vld [tilespmem:$0x120];
	_ =	sdelay $0x4  }
0xe0: {  	v58 =	vshll.u32 v3, $0x1  }
0xe1: {  	v3 =	vand.u32 $0x7, v3;
	v4 =	vand.u32 $0xFFFFFFF0, v58  }
0xe2: {  	v3 =	vor.u32 v3, v4  }
0xe3: {  	v4 =	vperm.xlane v3, v0;
	_ =	sdelay $0x1  }
0xe4: {  	v3 =	vperm.xlane v3, v2;
	v4 =	vadd.s32 v1, v4;
	_ =	sdelay $0x1  }
0xe5: {  	v3 =	vadd.s32 v1, v3;
	_ =	sdelay $0x2  }
0xe6: {  	[tilespmem:s23], [sflag:$0x3] =	stream.indirect_vreg.gather [hbm4b:s3+s2], $0x80, v4, vm0, $0xb8;
	[tilespmem:$0x1E400] =	vst v63  }
0xe7: {  	_ = 	snop  }
0xe8: {  	[tilespmem:s4], [sflag:$0x3] =	stream.indirect_vreg.gather [hbm4b:s3+s2], $0x80, v3, vm0, $0xb8;
	[tilespmem:$0x1E400] =	vst v63  }
0xe9: {  	v3 =	vld [tilespmem:$0x130];
	_ =	sdelay $0x4  }
0xea: {  	v59 =	vshll.u32 v3, $0x1  }
0xeb: {  	v3 =	vand.u32 $0x7, v3;
	v4 =	vand.u32 $0xFFFFFFF0, v59  }
0xec: {  	v3 =	vor.u32 v3, v4  }
0xed: {  	v4 =	vperm.xlane v3, v0;
	_ =	sdelay $0x1  }
0xee: {  	v3 =	vperm.xlane v3, v2;
	v4 =	vadd.s32 v1, v4;
	_ =	sdelay $0x1  }
0xef: {  	v3 =	vadd.s32 v1, v3;
	_ =	sdelay $0x2  }
0xf0: {  	[tilespmem:s6], [sflag:$0x3] =	stream.indirect_vreg.gather [hbm4b:s3+s2], $0x80, v4, vm0, $0xb8;
	[tilespmem:$0x1E400] =	vst v63  }
0xf1: {  	_ = 	snop  }
0xf2: {  	[tilespmem:s18], [sflag:$0x3] =	stream.indirect_vreg.gather [hbm4b:s3+s2], $0x80, v3, vm0, $0xb8;
	[tilespmem:$0x1E400] =	vst v63  }
0xf3: {  	v3 =	vld [tilespmem:$0x140];
	_ =	sdelay $0x4  }
0xf4: {  	v60 =	vshll.u32 v3, $0x1  }
0xf5: {  	v3 =	vand.u32 $0x7, v3;
	v4 =	vand.u32 $0xFFFFFFF0, v60  }
0xf6: {  	v3 =	vor.u32 v3, v4  }
0xf7: {  	v4 =	vperm.xlane v3, v0;
	_ =	sdelay $0x1  }
0xf8: {  	v3 =	vperm.xlane v3, v2;
	v4 =	vadd.s32 v1, v4;
	_ =	sdelay $0x1  }
0xf9: {  	v3 =	vadd.s32 v1, v3;
	_ =	sdelay $0x2  }
0xfa: {  	[tilespmem:s7], [sflag:$0x3] =	stream.indirect_vreg.gather [hbm4b:s3+s2], $0x80, v4, vm0, $0xb8;
	[tilespmem:$0x1E400] =	vst v63  }
0xfb: {  	_ = 	snop  }
0xfc: {  	[tilespmem:s24], [sflag:$0x3] =	stream.indirect_vreg.gather [hbm4b:s3+s2], $0x80, v3, vm0, $0xb8;
	[tilespmem:$0x1E400] =	vst v63  }
0xfd: {  	v3 =	vld [tilespmem:$0x150];
	_ =	sdelay $0x4  }
0xfe: {  	v61 =	vshll.u32 v3, $0x1  }
0xff: {  	v3 =	vand.u32 $0x7, v3;
	v4 =	vand.u32 $0xFFFFFFF0, v61  }
0x100: {  	v3 =	vor.u32 v3, v4  }
0x101: {  	v4 =	vperm.xlane v3, v0;
	_ =	sdelay $0x1  }
0x102: {  	v3 =	vperm.xlane v3, v2;
	v4 =	vadd.s32 v1, v4;
	_ =	sdelay $0x1  }
0x103: {  	v3 =	vadd.s32 v1, v3;
	_ =	sdelay $0x2  }
0x104: {  	[tilespmem:s8], [sflag:$0x3] =	stream.indirect_vreg.gather [hbm4b:s3+s2], $0x80, v4, vm0, $0xb8;
	[tilespmem:$0x1E400] =	vst v63  }
0x105: {  	_ = 	snop  }
0x106: {  	[tilespmem:s9], [sflag:$0x3] =	stream.indirect_vreg.gather [hbm4b:s3+s2], $0x80, v3, vm0, $0xb8;
	[tilespmem:$0x1E400] =	vst v63  }
0x107: {  	v3 =	vld [tilespmem:$0x160];
	_ =	sdelay $0x4  }
0x108: {  	v62 =	vshll.u32 v3, $0x1  }
0x109: {  	v3 =	vand.u32 $0x7, v3;
	v4 =	vand.u32 $0xFFFFFFF0, v62  }
0x10a: {  	v3 =	vor.u32 v3, v4  }
0x10b: {  	v4 =	vperm.xlane v3, v0;
	_ =	sdelay $0x1  }
0x10c: {  	v3 =	vperm.xlane v3, v2;
	v4 =	vadd.s32 v1, v4;
	_ =	sdelay $0x1  }
0x10d: {  	v3 =	vadd.s32 v1, v3;
	_ =	sdelay $0x2  }
0x10e: {  	[tilespmem:s10], [sflag:$0x3] =	stream.indirect_vreg.gather [hbm4b:s3+s2], $0x80, v4, vm0, $0xb8;
	[tilespmem:$0x1E400] =	vst v63  }
0x10f: {  	_ = 	snop  }
0x110: {  	[tilespmem:s5], [sflag:$0x3] =	stream.indirect_vreg.gather [hbm4b:s3+s2], $0x80, v3, vm0, $0xb8;
	[tilespmem:$0x1E400] =	vst v63  }
0x111: {  	v3 =	vld [tilespmem:$0x170];
	_ =	sdelay $0x4  }
0x112: {  	v63 =	vshll.u32 v3, $0x1  }
0x113: {  	v3 =	vand.u32 $0x7, v3;
	v4 =	vand.u32 $0xFFFFFFF0, v63  }
0x114: {  	v3 =	vor.u32 v3, v4  }
0x115: {  	v4 =	vperm.xlane v3, v0;
	_ =	sdelay $0x1  }
0x116: {  	v3 =	vperm.xlane v3, v2;
	v4 =	vadd.s32 v1, v4;
	_ =	sdelay $0x1  }
0x117: {  	v3 =	vadd.s32 v1, v3;
	_ =	sdelay $0x2  }
0x118: {  	[tilespmem:s11], [sflag:$0x3] =	stream.indirect_vreg.gather [hbm4b:s3+s2], $0x80, v4, vm0, $0xb8;
	[tilespmem:$0x1E400] =	vst v63  }
0x119: {  	_ = 	snop  }
0x11a: {  	[tilespmem:s13], [sflag:$0x3] =	stream.indirect_vreg.gather [hbm4b:s3+s2], $0x80, v3, vm0, $0xb8;
	[tilespmem:$0x1E400] =	vst v63  }
0x11b: {  	_ =	swait.ge [sflag:s21], $0x8000  }
0x11c: {  	s30 =	simm.s32 $0x2F0;
	s20 =	simm.s32 $0x17400;
	[sflag:s21] =	ssyncset.done $0x0  }
0x11d: {  	s0 =	simm.s32 $0x17C00;
	s23 =	rddreg [dreg:$0x4];
	[sflag:s21] =	ssyncadd.s32 $0xFFFF8000  }
0x11e: {  	[hbm4b:s23+s2] =	stream.linear.scatter [tilespmem:s12], [sflag:$0x4], $0x8000, $0x38;
	[tilespmem:$0x1E400] =	vst v63  }
0x11f: {  	s4 =	simm.s32 $0x18C00;
	s6 =	simm.s32 $0x19400;
	_ =	swait.ge [sflag:s26], $0x8000  }
0x120: {  	s18 =	simm.s32 $0x19C00;
	s7 =	simm.s32 $0x1A400;
	[sflag:s26] =	ssyncset.done $0x0  }
0x121: {  	s8 =	simm.s32 $0x1B400;
	s24 =	rddreg [dreg:$0x5];
	[sflag:s26] =	ssyncadd.s32 $0xFFFF8000  }
0x122: {  	[hbm4b:s24+s2] =	stream.linear.scatter [tilespmem:s29], [sflag:$0x5], $0x8000, $0x38;
	[tilespmem:$0x1E400] =	vst v63  }
0x123: {  	s9 =	simm.s32 $0x1BC00;
	s10 =	simm.s32 $0x1C400;
	_ =	swait.ge [sflag:s19], $0x8000  }
0x124: {  	s5 =	simm.s32 $0x1CC00;
	s11 =	simm.s32 $0x1D400;
	[sflag:s19] =	ssyncset.done $0x0  }
0x125: {  	s13 =	simm.s32 $0x1DC00;
	s25 =	rddreg [dreg:$0x6];
	[sflag:s19] =	ssyncadd.s32 $0xFFFF8000  }
0x126: {  	[hbm4b:s25+s2] =	stream.linear.scatter [tilespmem:s16], [sflag:$0x6], $0x8000, $0x38;
	[tilespmem:$0x1E400] =	vst v63  }
0x127: {  	s23 =	simm.s32 $0x0;
	s24 =	simm.s32 $0x18400;
	s25 =	simm.s32 $0x1AC00  }
.LBB2_2:
0x128: {  	_ =	swait.ge [sflag:s28], $0x8000  }
0x129: {  	[sflag:s28] =	ssyncset.done $0x0  }
0x12a: {  	[sflag:s28] =	ssyncadd.s32 $0xFFFF8000  }
0x12b: {  	v3 =	vld [tilespmem:s30+$0xFFFFFE90];
	_ =	sdelay $0x4  }
0x12c: {  	v4 =	vshll.u32 v3, $0x1  }
0x12d: {  	v3 =	vand.u32 $0x7, v3;
	v4 =	vand.u32 $0xFFFFFFF0, v4  }
0x12e: {  	v3 =	vor.u32 v3, v4  }
0x12f: {  	v4 =	vperm.xlane v3, v0;
	_ =	sdelay $0x1  }
0x130: {  	v3 =	vperm.xlane v3, v2;
	v4 =	vadd.s32 v1, v4;
	_ =	sdelay $0x1  }
0x131: {  	v3 =	vadd.s32 v1, v3;
	_ =	sdelay $0x2  }
0x132: {  	[tilespmem:s12], [sflag:$0x1] =	stream.indirect_vreg.gather [hbm4b:s3+s2], $0x80, v4, vm0, $0xb8;
	[tilespmem:$0x1E400] =	vst v63  }
0x133: {  	s1 =	simm.s32 $0x6C00  }
0x134: {  	[tilespmem:s1], [sflag:$0x1] =	stream.indirect_vreg.gather [hbm4b:s3+s2], $0x80, v3, vm0, $0xb8;
	[tilespmem:$0x1E400] =	vst v63  }
0x135: {  	v3 =	vld [tilespmem:s30+$0xFFFFFEA0];
	_ =	sdelay $0x4  }
0x136: {  	v41 =	vshll.u32 v3, $0x1  }
0x137: {  	v3 =	vand.u32 $0x7, v3;
	v4 =	vand.u32 $0xFFFFFFF0, v41  }
0x138: {  	v3 =	vor.u32 v3, v4  }
0x139: {  	v4 =	vperm.xlane v3, v0;
	_ =	sdelay $0x1  }
0x13a: {  	v3 =	vperm.xlane v3, v2;
	v4 =	vadd.s32 v1, v4;
	_ =	sdelay $0x1  }
0x13b: {  	v3 =	vadd.s32 v1, v3;
	_ =	sdelay $0x1  }
0x13c: {  	s1 =	simm.s32 $0x7400  }
0x13d: {  	[tilespmem:s1], [sflag:$0x1] =	stream.indirect_vreg.gather [hbm4b:s3+s2], $0x80, v4, vm0, $0xb8;
	[tilespmem:$0x1E400] =	vst v63  }
0x13e: {  	s1 =	simm.s32 $0x7C00  }
0x13f: {  	[tilespmem:s1], [sflag:$0x1] =	stream.indirect_vreg.gather [hbm4b:s3+s2], $0x80, v3, vm0, $0xb8;
	[tilespmem:$0x1E400] =	vst v63  }
0x140: {  	v3 =	vld [tilespmem:s30+$0xFFFFFEB0];
	_ =	sdelay $0x4  }
0x141: {  	v42 =	vshll.u32 v3, $0x1  }
0x142: {  	v3 =	vand.u32 $0x7, v3;
	v4 =	vand.u32 $0xFFFFFFF0, v42  }
0x143: {  	v3 =	vor.u32 v3, v4  }
0x144: {  	v4 =	vperm.xlane v3, v0;
	_ =	sdelay $0x1  }
0x145: {  	v3 =	vperm.xlane v3, v2;
	v4 =	vadd.s32 v1, v4;
	_ =	sdelay $0x1  }
0x146: {  	v3 =	vadd.s32 v1, v3;
	_ =	sdelay $0x1  }
0x147: {  	s1 =	simm.s32 $0x8400  }
0x148: {  	[tilespmem:s1], [sflag:$0x1] =	stream.indirect_vreg.gather [hbm4b:s3+s2], $0x80, v4, vm0, $0xb8;
	[tilespmem:$0x1E400] =	vst v63  }
0x149: {  	s1 =	simm.s32 $0x8C00  }
0x14a: {  	[tilespmem:s1], [sflag:$0x1] =	stream.indirect_vreg.gather [hbm4b:s3+s2], $0x80, v3, vm0, $0xb8;
	[tilespmem:$0x1E400] =	vst v63  }
0x14b: {  	v3 =	vld [tilespmem:s30+$0xFFFFFEC0];
	_ =	sdelay $0x4  }
0x14c: {  	v43 =	vshll.u32 v3, $0x1  }
0x14d: {  	v3 =	vand.u32 $0x7, v3;
	v4 =	vand.u32 $0xFFFFFFF0, v43  }
0x14e: {  	v3 =	vor.u32 v3, v4  }
0x14f: {  	v4 =	vperm.xlane v3, v0;
	_ =	sdelay $0x1  }
0x150: {  	v3 =	vperm.xlane v3, v2;
	v4 =	vadd.s32 v1, v4;
	_ =	sdelay $0x1  }
0x151: {  	v3 =	vadd.s32 v1, v3;
	_ =	sdelay $0x1  }
0x152: {  	s1 =	simm.s32 $0x9400  }
0x153: {  	[tilespmem:s1], [sflag:$0x1] =	stream.indirect_vreg.gather [hbm4b:s3+s2], $0x80, v4, vm0, $0xb8;
	[tilespmem:$0x1E400] =	vst v63  }
0x154: {  	s1 =	simm.s32 $0x9C00  }
0x155: {  	[tilespmem:s1], [sflag:$0x1] =	stream.indirect_vreg.gather [hbm4b:s3+s2], $0x80, v3, vm0, $0xb8;
	[tilespmem:$0x1E400] =	vst v63  }
0x156: {  	v3 =	vld [tilespmem:s30+$0xFFFFFED0];
	_ =	sdelay $0x4  }
0x157: {  	v44 =	vshll.u32 v3, $0x1  }
0x158: {  	v3 =	vand.u32 $0x7, v3;
	v4 =	vand.u32 $0xFFFFFFF0, v44  }
0x159: {  	v3 =	vor.u32 v3, v4  }
0x15a: {  	v4 =	vperm.xlane v3, v0;
	_ =	sdelay $0x1  }
0x15b: {  	v3 =	vperm.xlane v3, v2;
	v4 =	vadd.s32 v1, v4;
	_ =	sdelay $0x1  }
0x15c: {  	v3 =	vadd.s32 v1, v3;
	_ =	sdelay $0x1  }
0x15d: {  	s1 =	simm.s32 $0xA400  }
0x15e: {  	[tilespmem:s1], [sflag:$0x1] =	stream.indirect_vreg.gather [hbm4b:s3+s2], $0x80, v4, vm0, $0xb8;
	[tilespmem:$0x1E400] =	vst v63  }
0x15f: {  	s1 =	simm.s32 $0xAC00  }
0x160: {  	[tilespmem:s1], [sflag:$0x1] =	stream.indirect_vreg.gather [hbm4b:s3+s2], $0x80, v3, vm0, $0xb8;
	[tilespmem:$0x1E400] =	vst v63  }
0x161: {  	v3 =	vld [tilespmem:s30+$0xFFFFFEE0];
	_ =	sdelay $0x4  }
0x162: {  	v45 =	vshll.u32 v3, $0x1  }
0x163: {  	v3 =	vand.u32 $0x7, v3;
	v4 =	vand.u32 $0xFFFFFFF0, v45  }
0x164: {  	v3 =	vor.u32 v3, v4  }
0x165: {  	v4 =	vperm.xlane v3, v0;
	_ =	sdelay $0x1  }
0x166: {  	v3 =	vperm.xlane v3, v2;
	v4 =	vadd.s32 v1, v4;
	_ =	sdelay $0x1  }
0x167: {  	v3 =	vadd.s32 v1, v3;
	_ =	sdelay $0x1  }
0x168: {  	s1 =	simm.s32 $0xB400  }
0x169: {  	[tilespmem:s1], [sflag:$0x1] =	stream.indirect_vreg.gather [hbm4b:s3+s2], $0x80, v4, vm0, $0xb8;
	[tilespmem:$0x1E400] =	vst v63  }
0x16a: {  	s1 =	simm.s32 $0xBC00  }
0x16b: {  	[tilespmem:s1], [sflag:$0x1] =	stream.indirect_vreg.gather [hbm4b:s3+s2], $0x80, v3, vm0, $0xb8;
	[tilespmem:$0x1E400] =	vst v63  }
0x16c: {  	v3 =	vld [tilespmem:s30+$0xFFFFFEF0];
	_ =	sdelay $0x4  }
0x16d: {  	v46 =	vshll.u32 v3, $0x1  }
0x16e: {  	v3 =	vand.u32 $0x7, v3;
	v4 =	vand.u32 $0xFFFFFFF0, v46  }
0x16f: {  	v3 =	vor.u32 v3, v4  }
0x170: {  	v4 =	vperm.xlane v3, v0;
	_ =	sdelay $0x1  }
0x171: {  	v3 =	vperm.xlane v3, v2;
	v4 =	vadd.s32 v1, v4;
	_ =	sdelay $0x1  }
0x172: {  	v3 =	vadd.s32 v1, v3;
	_ =	sdelay $0x1  }
0x173: {  	s1 =	simm.s32 $0xC400  }
0x174: {  	[tilespmem:s1], [sflag:$0x1] =	stream.indirect_vreg.gather [hbm4b:s3+s2], $0x80, v4, vm0, $0xb8;
	[tilespmem:$0x1E400] =	vst v63  }
0x175: {  	s1 =	simm.s32 $0xCC00  }
0x176: {  	[tilespmem:s1], [sflag:$0x1] =	stream.indirect_vreg.gather [hbm4b:s3+s2], $0x80, v3, vm0, $0xb8;
	[tilespmem:$0x1E400] =	vst v63  }
0x177: {  	v3 =	vld [tilespmem:s30+$0xFFFFFF00];
	_ =	sdelay $0x4  }
0x178: {  	v47 =	vshll.u32 v3, $0x1  }
0x179: {  	v3 =	vand.u32 $0x7, v3;
	v4 =	vand.u32 $0xFFFFFFF0, v47  }
0x17a: {  	v3 =	vor.u32 v3, v4  }
0x17b: {  	v4 =	vperm.xlane v3, v0;
	_ =	sdelay $0x1  }
0x17c: {  	v3 =	vperm.xlane v3, v2;
	v4 =	vadd.s32 v1, v4;
	_ =	sdelay $0x1  }
0x17d: {  	v3 =	vadd.s32 v1, v3;
	_ =	sdelay $0x1  }
0x17e: {  	s1 =	simm.s32 $0xD400  }
0x17f: {  	[tilespmem:s1], [sflag:$0x1] =	stream.indirect_vreg.gather [hbm4b:s3+s2], $0x80, v4, vm0, $0xb8;
	[tilespmem:$0x1E400] =	vst v63  }
0x180: {  	s1 =	simm.s32 $0xDC00  }
0x181: {  	[tilespmem:s1], [sflag:$0x1] =	stream.indirect_vreg.gather [hbm4b:s3+s2], $0x80, v3, vm0, $0xb8;
	[tilespmem:$0x1E400] =	vst v63  }
0x182: {  	_ =	swait.ge [sflag:s22], $0x8000  }
0x183: {  	[sflag:s22] =	ssyncset.done $0x0  }
0x184: {  	[sflag:s22] =	ssyncadd.s32 $0xFFFF8000  }
0x185: {  	v3 =	vld [tilespmem:s30+$0xFFFFFF10];
	_ =	sdelay $0x4  }
0x186: {  	v48 =	vshll.u32 v3, $0x1  }
0x187: {  	v3 =	vand.u32 $0x7, v3;
	v4 =	vand.u32 $0xFFFFFFF0, v48  }
0x188: {  	v3 =	vor.u32 v3, v4  }
0x189: {  	v4 =	vperm.xlane v3, v0;
	_ =	sdelay $0x1  }
0x18a: {  	v3 =	vperm.xlane v3, v2;
	v4 =	vadd.s32 v1, v4;
	_ =	sdelay $0x1  }
0x18b: {  	v3 =	vadd.s32 v1, v3;
	_ =	sdelay $0x2  }
0x18c: {  	[tilespmem:s29], [sflag:$0x2] =	stream.indirect_vreg.gather [hbm4b:s3+s2], $0x80, v4, vm0, $0xb8;
	[tilespmem:$0x1E400] =	vst v63  }
0x18d: {  	s1 =	simm.s32 $0xEC00  }
0x18e: {  	[tilespmem:s1], [sflag:$0x2] =	stream.indirect_vreg.gather [hbm4b:s3+s2], $0x80, v3, vm0, $0xb8;
	[tilespmem:$0x1E400] =	vst v63  }
0x18f: {  	v3 =	vld [tilespmem:s30+$0xFFFFFF20];
	_ =	sdelay $0x4  }
0x190: {  	v49 =	vshll.u32 v3, $0x1  }
0x191: {  	v3 =	vand.u32 $0x7, v3;
	v4 =	vand.u32 $0xFFFFFFF0, v49  }
0x192: {  	v3 =	vor.u32 v3, v4  }
0x193: {  	v4 =	vperm.xlane v3, v0;
	_ =	sdelay $0x1  }
0x194: {  	v3 =	vperm.xlane v3, v2;
	v4 =	vadd.s32 v1, v4;
	_ =	sdelay $0x1  }
0x195: {  	v3 =	vadd.s32 v1, v3;
	_ =	sdelay $0x1  }
0x196: {  	s1 =	simm.s32 $0xF400  }
0x197: {  	[tilespmem:s1], [sflag:$0x2] =	stream.indirect_vreg.gather [hbm4b:s3+s2], $0x80, v4, vm0, $0xb8;
	[tilespmem:$0x1E400] =	vst v63  }
0x198: {  	s1 =	simm.s32 $0xFC00  }
0x199: {  	[tilespmem:s1], [sflag:$0x2] =	stream.indirect_vreg.gather [hbm4b:s3+s2], $0x80, v3, vm0, $0xb8;
	[tilespmem:$0x1E400] =	vst v63  }
0x19a: {  	v3 =	vld [tilespmem:s30+$0xFFFFFF30];
	_ =	sdelay $0x4  }
0x19b: {  	v50 =	vshll.u32 v3, $0x1  }
0x19c: {  	v3 =	vand.u32 $0x7, v3;
	v4 =	vand.u32 $0xFFFFFFF0, v50  }
0x19d: {  	v3 =	vor.u32 v3, v4  }
0x19e: {  	v4 =	vperm.xlane v3, v0;
	_ =	sdelay $0x1  }
0x19f: {  	v3 =	vperm.xlane v3, v2;
	v4 =	vadd.s32 v1, v4;
	_ =	sdelay $0x1  }
0x1a0: {  	v3 =	vadd.s32 v1, v3;
	_ =	sdelay $0x1  }
0x1a1: {  	s1 =	simm.s32 $0x10400  }
0x1a2: {  	[tilespmem:s1], [sflag:$0x2] =	stream.indirect_vreg.gather [hbm4b:s3+s2], $0x80, v4, vm0, $0xb8;
	[tilespmem:$0x1E400] =	vst v63  }
0x1a3: {  	s1 =	simm.s32 $0x10C00  }
0x1a4: {  	[tilespmem:s1], [sflag:$0x2] =	stream.indirect_vreg.gather [hbm4b:s3+s2], $0x80, v3, vm0, $0xb8;
	[tilespmem:$0x1E400] =	vst v63  }
0x1a5: {  	v3 =	vld [tilespmem:s30+$0xFFFFFF40];
	_ =	sdelay $0x4  }
0x1a6: {  	v51 =	vshll.u32 v3, $0x1  }
0x1a7: {  	v3 =	vand.u32 $0x7, v3;
	v4 =	vand.u32 $0xFFFFFFF0, v51  }
0x1a8: {  	v3 =	vor.u32 v3, v4  }
0x1a9: {  	v4 =	vperm.xlane v3, v0;
	_ =	sdelay $0x1  }
0x1aa: {  	v3 =	vperm.xlane v3, v2;
	v4 =	vadd.s32 v1, v4;
	_ =	sdelay $0x1  }
0x1ab: {  	v3 =	vadd.s32 v1, v3;
	_ =	sdelay $0x1  }
0x1ac: {  	s1 =	simm.s32 $0x11400  }
0x1ad: {  	[tilespmem:s1], [sflag:$0x2] =	stream.indirect_vreg.gather [hbm4b:s3+s2], $0x80, v4, vm0, $0xb8;
	[tilespmem:$0x1E400] =	vst v63  }
0x1ae: {  	s1 =	simm.s32 $0x11C00  }
0x1af: {  	[tilespmem:s1], [sflag:$0x2] =	stream.indirect_vreg.gather [hbm4b:s3+s2], $0x80, v3, vm0, $0xb8;
	[tilespmem:$0x1E400] =	vst v63  }
0x1b0: {  	v3 =	vld [tilespmem:s30+$0xFFFFFF50];
	_ =	sdelay $0x4  }
0x1b1: {  	v52 =	vshll.u32 v3, $0x1  }
0x1b2: {  	v3 =	vand.u32 $0x7, v3;
	v4 =	vand.u32 $0xFFFFFFF0, v52  }
0x1b3: {  	v3 =	vor.u32 v3, v4  }
0x1b4: {  	v4 =	vperm.xlane v3, v0;
	_ =	sdelay $0x1  }
0x1b5: {  	v3 =	vperm.xlane v3, v2;
	v4 =	vadd.s32 v1, v4;
	_ =	sdelay $0x1  }
0x1b6: {  	v3 =	vadd.s32 v1, v3;
	_ =	sdelay $0x1  }
0x1b7: {  	s1 =	simm.s32 $0x12400  }
0x1b8: {  	[tilespmem:s1], [sflag:$0x2] =	stream.indirect_vreg.gather [hbm4b:s3+s2], $0x80, v4, vm0, $0xb8;
	[tilespmem:$0x1E400] =	vst v63  }
0x1b9: {  	s1 =	simm.s32 $0x12C00  }
0x1ba: {  	[tilespmem:s1], [sflag:$0x2] =	stream.indirect_vreg.gather [hbm4b:s3+s2], $0x80, v3, vm0, $0xb8;
	[tilespmem:$0x1E400] =	vst v63  }
0x1bb: {  	v3 =	vld [tilespmem:s30+$0xFFFFFF60];
	_ =	sdelay $0x4  }
0x1bc: {  	v53 =	vshll.u32 v3, $0x1  }
0x1bd: {  	v3 =	vand.u32 $0x7, v3;
	v4 =	vand.u32 $0xFFFFFFF0, v53  }
0x1be: {  	v3 =	vor.u32 v3, v4  }
0x1bf: {  	v4 =	vperm.xlane v3, v0;
	_ =	sdelay $0x1  }
0x1c0: {  	v3 =	vperm.xlane v3, v2;
	v4 =	vadd.s32 v1, v4;
	_ =	sdelay $0x1  }
0x1c1: {  	v3 =	vadd.s32 v1, v3;
	_ =	sdelay $0x1  }
0x1c2: {  	s1 =	simm.s32 $0x13400  }
0x1c3: {  	[tilespmem:s1], [sflag:$0x2] =	stream.indirect_vreg.gather [hbm4b:s3+s2], $0x80, v4, vm0, $0xb8;
	[tilespmem:$0x1E400] =	vst v63  }
0x1c4: {  	s1 =	simm.s32 $0x13C00  }
0x1c5: {  	[tilespmem:s1], [sflag:$0x2] =	stream.indirect_vreg.gather [hbm4b:s3+s2], $0x80, v3, vm0, $0xb8;
	[tilespmem:$0x1E400] =	vst v63  }
0x1c6: {  	v3 =	vld [tilespmem:s30+$0xFFFFFF70];
	_ =	sdelay $0x4  }
0x1c7: {  	v54 =	vshll.u32 v3, $0x1  }
0x1c8: {  	v3 =	vand.u32 $0x7, v3;
	v4 =	vand.u32 $0xFFFFFFF0, v54  }
0x1c9: {  	v3 =	vor.u32 v3, v4  }
0x1ca: {  	v4 =	vperm.xlane v3, v0;
	_ =	sdelay $0x1  }
0x1cb: {  	v3 =	vperm.xlane v3, v2;
	v4 =	vadd.s32 v1, v4;
	_ =	sdelay $0x1  }
0x1cc: {  	v3 =	vadd.s32 v1, v3;
	_ =	sdelay $0x1  }
0x1cd: {  	s1 =	simm.s32 $0x14400  }
0x1ce: {  	[tilespmem:s1], [sflag:$0x2] =	stream.indirect_vreg.gather [hbm4b:s3+s2], $0x80, v4, vm0, $0xb8;
	[tilespmem:$0x1E400] =	vst v63  }
0x1cf: {  	s1 =	simm.s32 $0x14C00  }
0x1d0: {  	[tilespmem:s1], [sflag:$0x2] =	stream.indirect_vreg.gather [hbm4b:s3+s2], $0x80, v3, vm0, $0xb8;
	[tilespmem:$0x1E400] =	vst v63  }
0x1d1: {  	v3 =	vld [tilespmem:s30+$0xFFFFFF80];
	_ =	sdelay $0x4  }
0x1d2: {  	v55 =	vshll.u32 v3, $0x1  }
0x1d3: {  	v3 =	vand.u32 $0x7, v3;
	v4 =	vand.u32 $0xFFFFFFF0, v55  }
0x1d4: {  	v3 =	vor.u32 v3, v4  }
0x1d5: {  	v4 =	vperm.xlane v3, v0;
	_ =	sdelay $0x1  }
0x1d6: {  	v3 =	vperm.xlane v3, v2;
	v4 =	vadd.s32 v1, v4;
	_ =	sdelay $0x1  }
0x1d7: {  	v3 =	vadd.s32 v1, v3;
	_ =	sdelay $0x2  }
0x1d8: {  	[tilespmem:s14], [sflag:$0x2] =	stream.indirect_vreg.gather [hbm4b:s3+s2], $0x80, v4, vm0, $0xb8;
	[tilespmem:$0x1E400] =	vst v63  }
0x1d9: {  	_ = 	snop  }
0x1da: {  	[tilespmem:s15], [sflag:$0x2] =	stream.indirect_vreg.gather [hbm4b:s3+s2], $0x80, v3, vm0, $0xb8;
	[tilespmem:$0x1E400] =	vst v63  }
0x1db: {  	_ =	swait.ge [sflag:s17], $0x8000  }
0x1dc: {  	[sflag:s17] =	ssyncset.done $0x0  }
0x1dd: {  	[sflag:s17] =	ssyncadd.s32 $0xFFFF8000  }
0x1de: {  	v3 =	vld [tilespmem:s30+$0xFFFFFF90];
	_ =	sdelay $0x4  }
0x1df: {  	v56 =	vshll.u32 v3, $0x1  }
0x1e0: {  	v3 =	vand.u32 $0x7, v3;
	v4 =	vand.u32 $0xFFFFFFF0, v56  }
0x1e1: {  	v3 =	vor.u32 v3, v4  }
0x1e2: {  	v4 =	vperm.xlane v3, v0;
	_ =	sdelay $0x1  }
0x1e3: {  	v3 =	vperm.xlane v3, v2;
	v4 =	vadd.s32 v1, v4;
	_ =	sdelay $0x1  }
0x1e4: {  	v3 =	vadd.s32 v1, v3;
	_ =	sdelay $0x2  }
0x1e5: {  	[tilespmem:s16], [sflag:$0x3] =	stream.indirect_vreg.gather [hbm4b:s3+s2], $0x80, v4, vm0, $0xb8;
	[tilespmem:$0x1E400] =	vst v63  }
0x1e6: {  	_ = 	snop  }
0x1e7: {  	[tilespmem:s31], [sflag:$0x3] =	stream.indirect_vreg.gather [hbm4b:s3+s2], $0x80, v3, vm0, $0xb8;
	[tilespmem:$0x1E400] =	vst v63  }
0x1e8: {  	v3 =	vld [tilespmem:s30+$0xFFFFFFA0];
	_ =	sdelay $0x4  }
0x1e9: {  	v57 =	vshll.u32 v3, $0x1  }
0x1ea: {  	v3 =	vand.u32 $0x7, v3;
	v4 =	vand.u32 $0xFFFFFFF0, v57  }
0x1eb: {  	v3 =	vor.u32 v3, v4  }
0x1ec: {  	v4 =	vperm.xlane v3, v0;
	_ =	sdelay $0x1  }
0x1ed: {  	v3 =	vperm.xlane v3, v2;
	v4 =	vadd.s32 v1, v4;
	_ =	sdelay $0x1  }
0x1ee: {  	v3 =	vadd.s32 v1, v3;
	_ =	sdelay $0x2  }
0x1ef: {  	[tilespmem:s20], [sflag:$0x3] =	stream.indirect_vreg.gather [hbm4b:s3+s2], $0x80, v4, vm0, $0xb8;
	[tilespmem:$0x1E400] =	vst v63  }
0x1f0: {  	_ = 	snop  }
0x1f1: {  	[tilespmem:s0], [sflag:$0x3] =	stream.indirect_vreg.gather [hbm4b:s3+s2], $0x80, v3, vm0, $0xb8;
	[tilespmem:$0x1E400] =	vst v63  }
0x1f2: {  	v3 =	vld [tilespmem:s30+$0xFFFFFFB0];
	_ =	sdelay $0x4  }
0x1f3: {  	v58 =	vshll.u32 v3, $0x1  }
0x1f4: {  	v3 =	vand.u32 $0x7, v3;
	v4 =	vand.u32 $0xFFFFFFF0, v58  }
0x1f5: {  	v3 =	vor.u32 v3, v4  }
0x1f6: {  	v4 =	vperm.xlane v3, v0;
	_ =	sdelay $0x1  }
0x1f7: {  	v3 =	vperm.xlane v3, v2;
	v4 =	vadd.s32 v1, v4;
	_ =	sdelay $0x1  }
0x1f8: {  	v3 =	vadd.s32 v1, v3;
	_ =	sdelay $0x2  }
0x1f9: {  	[tilespmem:s24], [sflag:$0x3] =	stream.indirect_vreg.gather [hbm4b:s3+s2], $0x80, v4, vm0, $0xb8;
	[tilespmem:$0x1E400] =	vst v63  }
0x1fa: {  	_ = 	snop  }
0x1fb: {  	[tilespmem:s4], [sflag:$0x3] =	stream.indirect_vreg.gather [hbm4b:s3+s2], $0x80, v3, vm0, $0xb8;
	[tilespmem:$0x1E400] =	vst v63  }
0x1fc: {  	v3 =	vld [tilespmem:s30+$0xFFFFFFC0];
	_ =	sdelay $0x4  }
0x1fd: {  	v59 =	vshll.u32 v3, $0x1  }
0x1fe: {  	v3 =	vand.u32 $0x7, v3;
	v4 =	vand.u32 $0xFFFFFFF0, v59  }
0x1ff: {  	v3 =	vor.u32 v3, v4  }
0x200: {  	v4 =	vperm.xlane v3, v0;
	_ =	sdelay $0x1  }
0x201: {  	v3 =	vperm.xlane v3, v2;
	v4 =	vadd.s32 v1, v4;
	_ =	sdelay $0x1  }
0x202: {  	v3 =	vadd.s32 v1, v3;
	_ =	sdelay $0x2  }
0x203: {  	[tilespmem:s6], [sflag:$0x3] =	stream.indirect_vreg.gather [hbm4b:s3+s2], $0x80, v4, vm0, $0xb8;
	[tilespmem:$0x1E400] =	vst v63  }
0x204: {  	_ = 	snop  }
0x205: {  	[tilespmem:s18], [sflag:$0x3] =	stream.indirect_vreg.gather [hbm4b:s3+s2], $0x80, v3, vm0, $0xb8;
	[tilespmem:$0x1E400] =	vst v63  }
0x206: {  	v3 =	vld [tilespmem:s30+$0xFFFFFFD0];
	_ =	sdelay $0x4  }
0x207: {  	v60 =	vshll.u32 v3, $0x1  }
0x208: {  	v3 =	vand.u32 $0x7, v3;
	v4 =	vand.u32 $0xFFFFFFF0, v60  }
0x209: {  	v3 =	vor.u32 v3, v4  }
0x20a: {  	v4 =	vperm.xlane v3, v0;
	_ =	sdelay $0x1  }
0x20b: {  	v3 =	vperm.xlane v3, v2;
	v4 =	vadd.s32 v1, v4;
	_ =	sdelay $0x1  }
0x20c: {  	v3 =	vadd.s32 v1, v3;
	_ =	sdelay $0x2  }
0x20d: {  	[tilespmem:s7], [sflag:$0x3] =	stream.indirect_vreg.gather [hbm4b:s3+s2], $0x80, v4, vm0, $0xb8;
	[tilespmem:$0x1E400] =	vst v63  }
0x20e: {  	_ = 	snop  }
0x20f: {  	[tilespmem:s25], [sflag:$0x3] =	stream.indirect_vreg.gather [hbm4b:s3+s2], $0x80, v3, vm0, $0xb8;
	[tilespmem:$0x1E400] =	vst v63  }
0x210: {  	v3 =	vld [tilespmem:s30+$0xFFFFFFE0];
	_ =	sdelay $0x4  }
0x211: {  	v61 =	vshll.u32 v3, $0x1  }
0x212: {  	v3 =	vand.u32 $0x7, v3;
	v4 =	vand.u32 $0xFFFFFFF0, v61  }
0x213: {  	v3 =	vor.u32 v3, v4  }
0x214: {  	v4 =	vperm.xlane v3, v0;
	_ =	sdelay $0x1  }
0x215: {  	v3 =	vperm.xlane v3, v2;
	v4 =	vadd.s32 v1, v4;
	_ =	sdelay $0x1  }
0x216: {  	v3 =	vadd.s32 v1, v3;
	_ =	sdelay $0x2  }
0x217: {  	[tilespmem:s8], [sflag:$0x3] =	stream.indirect_vreg.gather [hbm4b:s3+s2], $0x80, v4, vm0, $0xb8;
	[tilespmem:$0x1E400] =	vst v63  }
0x218: {  	_ = 	snop  }
0x219: {  	[tilespmem:s9], [sflag:$0x3] =	stream.indirect_vreg.gather [hbm4b:s3+s2], $0x80, v3, vm0, $0xb8;
	[tilespmem:$0x1E400] =	vst v63  }
0x21a: {  	v3 =	vld [tilespmem:s30+$0xFFFFFFF0];
	_ =	sdelay $0x4  }
0x21b: {  	v62 =	vshll.u32 v3, $0x1  }
0x21c: {  	v3 =	vand.u32 $0x7, v3;
	v4 =	vand.u32 $0xFFFFFFF0, v62  }
0x21d: {  	v3 =	vor.u32 v3, v4  }
0x21e: {  	v4 =	vperm.xlane v3, v0;
	_ =	sdelay $0x1  }
0x21f: {  	v3 =	vperm.xlane v3, v2;
	v4 =	vadd.s32 v1, v4;
	_ =	sdelay $0x1  }
0x220: {  	v3 =	vadd.s32 v1, v3;
	_ =	sdelay $0x2  }
0x221: {  	[tilespmem:s10], [sflag:$0x3] =	stream.indirect_vreg.gather [hbm4b:s3+s2], $0x80, v4, vm0, $0xb8;
	[tilespmem:$0x1E400] =	vst v63  }
0x222: {  	_ = 	snop  }
0x223: {  	[tilespmem:s5], [sflag:$0x3] =	stream.indirect_vreg.gather [hbm4b:s3+s2], $0x80, v3, vm0, $0xb8;
	[tilespmem:$0x1E400] =	vst v63  }
0x224: {  	v3 =	vld [tilespmem:s30+$0x0];
	_ =	sdelay $0x4  }
0x225: {  	v63 =	vshll.u32 v3, $0x1  }
0x226: {  	v3 =	vand.u32 $0x7, v3;
	v4 =	vand.u32 $0xFFFFFFF0, v63  }
0x227: {  	v3 =	vor.u32 v3, v4  }
0x228: {  	v4 =	vperm.xlane v3, v0;
	_ =	sdelay $0x1  }
0x229: {  	v3 =	vperm.xlane v3, v2;
	v4 =	vadd.s32 v1, v4;
	_ =	sdelay $0x1  }
0x22a: {  	v3 =	vadd.s32 v1, v3;
	_ =	sdelay $0x2  }
0x22b: {  	[tilespmem:s11], [sflag:$0x3] =	stream.indirect_vreg.gather [hbm4b:s3+s2], $0x80, v4, vm0, $0xb8;
	[tilespmem:$0x1E400] =	vst v63  }
0x22c: {  	_ = 	snop  }
0x22d: {  	[tilespmem:s13], [sflag:$0x3] =	stream.indirect_vreg.gather [hbm4b:s3+s2], $0x80, v3, vm0, $0xb8;
	[tilespmem:$0x1E400] =	vst v63  }
0x22e: {  	_ =	swait.ge [sflag:s21], $0x8000  }
0x22f: {  	s31 =	rddreg [dreg:$0x2]  }
0x230: {  	[sflag:s21] =	ssyncset.done $0x0;
	s31 =	sadd.s32 s23, s31  }
0x231: {  	[sflag:s21] =	ssyncadd.s32 $0xFFFF8000;
	s1 =	sadd.s32 $0x3000, s31  }
0x232: {  	[hbm4b:s1+s2] =	stream.linear.scatter [tilespmem:s12], [sflag:$0x4], $0x8000, $0x38;
	[tilespmem:$0x1E400] =	vst v63  }
0x233: {  	_ =	swait.ge [sflag:s26], $0x8000  }
0x234: {  	[sflag:s26] =	ssyncset.done $0x0  }
0x235: {  	p0 =	sne.s32 s23, $0xC0000;
	s1 =	sadd.s32 $0x4000, s31;
	[sflag:s26] =	ssyncadd.s32 $0xFFFF8000  }
0x236: {  	[hbm4b:s1+s2] =	stream.linear.scatter [tilespmem:s29], [sflag:$0x5], $0x8000, $0x38;
	[tilespmem:$0x1E400] =	vst v63  }
.Ltmp0:
0x237: {  	_ = 	snop;
	(pc) =	sbr.rel @p0 .LBB2_2-.Ltmp0, $4  }
0x238: {  	_ =	swait.ge [sflag:s19], $0x8000  }
0x239: {  	s30 =	sadd.s32 $0x180, s30;
	s23 =	sadd.s32 $0x3000, s23;
	[sflag:s19] =	ssyncset.done $0x0  }
0x23a: {  	s1 =	sadd.s32 $0x5000, s31;
	s31 =	simm.s32 $0x16C00;
	[sflag:s19] =	ssyncadd.s32 $0xFFFF8000  }
0x23b: {  	[hbm4b:s1+s2] =	stream.linear.scatter [tilespmem:s16], [sflag:$0x6], $0x8000, $0x38;
	[tilespmem:$0x1E400] =	vst v63  }
0x23c: {  	_ =	swait.ge [sflag:s28], $0x8000  }
0x23d: {  	[sflag:s28] =	ssyncset.done $0x0  }
0x23e: {  	[sflag:s28] =	ssyncadd.s32 $0xFFFF8000  }
0x23f: {  	v3 =	vld [tilespmem:$0x6300];
	_ =	sdelay $0x4  }
0x240: {  	v4 =	vshll.u32 v3, $0x1  }
0x241: {  	v3 =	vand.u32 $0x7, v3;
	v4 =	vand.u32 $0xFFFFFFF0, v4  }
0x242: {  	v3 =	vor.u32 v3, v4  }
0x243: {  	v4 =	vperm.xlane v3, v0;
	_ =	sdelay $0x1  }
0x244: {  	v3 =	vperm.xlane v3, v2;
	v4 =	vadd.s32 v1, v4;
	_ =	sdelay $0x1  }
0x245: {  	v3 =	vadd.s32 v1, v3;
	_ =	sdelay $0x2  }
0x246: {  	[tilespmem:s12], [sflag:$0x1] =	stream.indirect_vreg.gather [hbm4b:s3+s2], $0x80, v4, vm0, $0xb8;
	[tilespmem:$0x1E400] =	vst v63  }
0x247: {  	s1 =	simm.s32 $0x6C00  }
0x248: {  	[tilespmem:s1], [sflag:$0x1] =	stream.indirect_vreg.gather [hbm4b:s3+s2], $0x80, v3, vm0, $0xb8;
	[tilespmem:$0x1E400] =	vst v63  }
0x249: {  	v3 =	vld [tilespmem:$0x6310];
	_ =	sdelay $0x4  }
0x24a: {  	v49 =	vshll.u32 v3, $0x1  }
0x24b: {  	v3 =	vand.u32 $0x7, v3;
	v4 =	vand.u32 $0xFFFFFFF0, v49  }
0x24c: {  	v3 =	vor.u32 v3, v4  }
0x24d: {  	v4 =	vperm.xlane v3, v0;
	_ =	sdelay $0x1  }
0x24e: {  	v3 =	vperm.xlane v3, v2;
	v4 =	vadd.s32 v1, v4;
	_ =	sdelay $0x1  }
0x24f: {  	v3 =	vadd.s32 v1, v3;
	_ =	sdelay $0x1  }
0x250: {  	s6 =	simm.s32 $0x7400  }
0x251: {  	[tilespmem:s6], [sflag:$0x1] =	stream.indirect_vreg.gather [hbm4b:s3+s2], $0x80, v4, vm0, $0xb8;
	[tilespmem:$0x1E400] =	vst v63  }
0x252: {  	s7 =	simm.s32 $0x7C00  }
0x253: {  	[tilespmem:s7], [sflag:$0x1] =	stream.indirect_vreg.gather [hbm4b:s3+s2], $0x80, v3, vm0, $0xb8;
	[tilespmem:$0x1E400] =	vst v63  }
0x254: {  	v3 =	vld [tilespmem:$0x6320];
	_ =	sdelay $0x4  }
0x255: {  	v50 =	vshll.u32 v3, $0x1  }
0x256: {  	v3 =	vand.u32 $0x7, v3;
	v4 =	vand.u32 $0xFFFFFFF0, v50  }
0x257: {  	v3 =	vor.u32 v3, v4  }
0x258: {  	v4 =	vperm.xlane v3, v0;
	_ =	sdelay $0x1  }
0x259: {  	v3 =	vperm.xlane v3, v2;
	v4 =	vadd.s32 v1, v4;
	_ =	sdelay $0x1  }
0x25a: {  	v3 =	vadd.s32 v1, v3;
	_ =	sdelay $0x1  }
0x25b: {  	s8 =	simm.s32 $0x8400  }
0x25c: {  	[tilespmem:s8], [sflag:$0x1] =	stream.indirect_vreg.gather [hbm4b:s3+s2], $0x80, v4, vm0, $0xb8;
	[tilespmem:$0x1E400] =	vst v63  }
0x25d: {  	s9 =	simm.s32 $0x8C00  }
0x25e: {  	[tilespmem:s9], [sflag:$0x1] =	stream.indirect_vreg.gather [hbm4b:s3+s2], $0x80, v3, vm0, $0xb8;
	[tilespmem:$0x1E400] =	vst v63  }
0x25f: {  	v3 =	vld [tilespmem:$0x6330];
	_ =	sdelay $0x4  }
0x260: {  	v51 =	vshll.u32 v3, $0x1  }
0x261: {  	v3 =	vand.u32 $0x7, v3;
	v4 =	vand.u32 $0xFFFFFFF0, v51  }
0x262: {  	v3 =	vor.u32 v3, v4  }
0x263: {  	v4 =	vperm.xlane v3, v0;
	_ =	sdelay $0x1  }
0x264: {  	v3 =	vperm.xlane v3, v2;
	v4 =	vadd.s32 v1, v4;
	_ =	sdelay $0x1  }
0x265: {  	v3 =	vadd.s32 v1, v3;
	_ =	sdelay $0x1  }
0x266: {  	s10 =	simm.s32 $0x9400  }
0x267: {  	[tilespmem:s10], [sflag:$0x1] =	stream.indirect_vreg.gather [hbm4b:s3+s2], $0x80, v4, vm0, $0xb8;
	[tilespmem:$0x1E400] =	vst v63  }
0x268: {  	s11 =	simm.s32 $0x9C00  }
0x269: {  	[tilespmem:s11], [sflag:$0x1] =	stream.indirect_vreg.gather [hbm4b:s3+s2], $0x80, v3, vm0, $0xb8;
	[tilespmem:$0x1E400] =	vst v63  }
0x26a: {  	v3 =	vld [tilespmem:$0x6340];
	_ =	sdelay $0x4  }
0x26b: {  	v52 =	vshll.u32 v3, $0x1  }
0x26c: {  	v3 =	vand.u32 $0x7, v3;
	v4 =	vand.u32 $0xFFFFFFF0, v52  }
0x26d: {  	v3 =	vor.u32 v3, v4  }
0x26e: {  	v4 =	vperm.xlane v3, v0;
	_ =	sdelay $0x1  }
0x26f: {  	v3 =	vperm.xlane v3, v2;
	v4 =	vadd.s32 v1, v4;
	_ =	sdelay $0x1  }
0x270: {  	v3 =	vadd.s32 v1, v3;
	_ =	sdelay $0x1  }
0x271: {  	s13 =	simm.s32 $0xA400  }
0x272: {  	[tilespmem:s13], [sflag:$0x1] =	stream.indirect_vreg.gather [hbm4b:s3+s2], $0x80, v4, vm0, $0xb8;
	[tilespmem:$0x1E400] =	vst v63  }
0x273: {  	s18 =	simm.s32 $0xAC00  }
0x274: {  	[tilespmem:s18], [sflag:$0x1] =	stream.indirect_vreg.gather [hbm4b:s3+s2], $0x80, v3, vm0, $0xb8;
	[tilespmem:$0x1E400] =	vst v63  }
0x275: {  	v3 =	vld [tilespmem:$0x6350];
	_ =	sdelay $0x4  }
0x276: {  	v53 =	vshll.u32 v3, $0x1  }
0x277: {  	v3 =	vand.u32 $0x7, v3;
	v4 =	vand.u32 $0xFFFFFFF0, v53  }
0x278: {  	v3 =	vor.u32 v3, v4  }
0x279: {  	v4 =	vperm.xlane v3, v0;
	_ =	sdelay $0x1  }
0x27a: {  	v3 =	vperm.xlane v3, v2;
	v4 =	vadd.s32 v1, v4;
	_ =	sdelay $0x1  }
0x27b: {  	v3 =	vadd.s32 v1, v3;
	_ =	sdelay $0x1  }
0x27c: {  	s20 =	simm.s32 $0xB400  }
0x27d: {  	[tilespmem:s20], [sflag:$0x1] =	stream.indirect_vreg.gather [hbm4b:s3+s2], $0x80, v4, vm0, $0xb8;
	[tilespmem:$0x1E400] =	vst v63  }
0x27e: {  	s23 =	simm.s32 $0xBC00  }
0x27f: {  	[tilespmem:s23], [sflag:$0x1] =	stream.indirect_vreg.gather [hbm4b:s3+s2], $0x80, v3, vm0, $0xb8;
	[tilespmem:$0x1E400] =	vst v63  }
0x280: {  	v3 =	vld [tilespmem:$0x6360];
	_ =	sdelay $0x4  }
0x281: {  	v54 =	vshll.u32 v3, $0x1  }
0x282: {  	v3 =	vand.u32 $0x7, v3;
	v4 =	vand.u32 $0xFFFFFFF0, v54  }
0x283: {  	v3 =	vor.u32 v3, v4  }
0x284: {  	v4 =	vperm.xlane v3, v0;
	_ =	sdelay $0x1  }
0x285: {  	v3 =	vperm.xlane v3, v2;
	v4 =	vadd.s32 v1, v4;
	_ =	sdelay $0x1  }
0x286: {  	v3 =	vadd.s32 v1, v3;
	_ =	sdelay $0x1  }
0x287: {  	s24 =	simm.s32 $0xC400  }
0x288: {  	[tilespmem:s24], [sflag:$0x1] =	stream.indirect_vreg.gather [hbm4b:s3+s2], $0x80, v4, vm0, $0xb8;
	[tilespmem:$0x1E400] =	vst v63  }
0x289: {  	s25 =	simm.s32 $0xCC00  }
0x28a: {  	[tilespmem:s25], [sflag:$0x1] =	stream.indirect_vreg.gather [hbm4b:s3+s2], $0x80, v3, vm0, $0xb8;
	[tilespmem:$0x1E400] =	vst v63  }
0x28b: {  	v3 =	vld [tilespmem:$0x6370];
	_ =	sdelay $0x4  }
0x28c: {  	v55 =	vshll.u32 v3, $0x1  }
0x28d: {  	v3 =	vand.u32 $0x7, v3;
	v4 =	vand.u32 $0xFFFFFFF0, v55  }
0x28e: {  	v3 =	vor.u32 v3, v4  }
0x28f: {  	v4 =	vperm.xlane v3, v0;
	_ =	sdelay $0x1  }
0x290: {  	v3 =	vperm.xlane v3, v2;
	v4 =	vadd.s32 v1, v4;
	_ =	sdelay $0x1  }
0x291: {  	v3 =	vadd.s32 v1, v3;
	_ =	sdelay $0x1  }
0x292: {  	s30 =	simm.s32 $0xD400  }
0x293: {  	[tilespmem:s30], [sflag:$0x1] =	stream.indirect_vreg.gather [hbm4b:s3+s2], $0x80, v4, vm0, $0xb8;
	[tilespmem:$0x1E400] =	vst v63  }
0x294: {  	s0 =	simm.s32 $0xDC00  }
0x295: {  	[tilespmem:s0], [sflag:$0x1] =	stream.indirect_vreg.gather [hbm4b:s3+s2], $0x80, v3, vm0, $0xb8;
	[tilespmem:$0x1E400] =	vst v63  }
0x296: {  	_ =	swait.ge [sflag:s22], $0x8000  }
0x297: {  	[sflag:s22] =	ssyncset.done $0x0  }
0x298: {  	[sflag:s22] =	ssyncadd.s32 $0xFFFF8000  }
0x299: {  	v3 =	vld [tilespmem:$0x6380];
	_ =	sdelay $0x4  }
0x29a: {  	v56 =	vshll.u32 v3, $0x1  }
0x29b: {  	v3 =	vand.u32 $0x7, v3;
	v4 =	vand.u32 $0xFFFFFFF0, v56  }
0x29c: {  	v3 =	vor.u32 v3, v4  }
0x29d: {  	v4 =	vperm.xlane v3, v0;
	_ =	sdelay $0x1  }
0x29e: {  	v3 =	vperm.xlane v3, v2;
	v4 =	vadd.s32 v1, v4;
	_ =	sdelay $0x1  }
0x29f: {  	v3 =	vadd.s32 v1, v3;
	_ =	sdelay $0x2  }
0x2a0: {  	[tilespmem:s29], [sflag:$0x2] =	stream.indirect_vreg.gather [hbm4b:s3+s2], $0x80, v4, vm0, $0xb8;
	[tilespmem:$0x1E400] =	vst v63  }
0x2a1: {  	s4 =	simm.s32 $0xEC00  }
0x2a2: {  	[tilespmem:s4], [sflag:$0x2] =	stream.indirect_vreg.gather [hbm4b:s3+s2], $0x80, v3, vm0, $0xb8;
	[tilespmem:$0x1E400] =	vst v63  }
0x2a3: {  	v3 =	vld [tilespmem:$0x6390];
	_ =	sdelay $0x4  }
0x2a4: {  	v57 =	vshll.u32 v3, $0x1  }
0x2a5: {  	v3 =	vand.u32 $0x7, v3;
	v4 =	vand.u32 $0xFFFFFFF0, v57  }
0x2a6: {  	v3 =	vor.u32 v3, v4  }
0x2a7: {  	v4 =	vperm.xlane v3, v0;
	_ =	sdelay $0x1  }
0x2a8: {  	v3 =	vperm.xlane v3, v2;
	v4 =	vadd.s32 v1, v4;
	_ =	sdelay $0x1  }
0x2a9: {  	v3 =	vadd.s32 v1, v3;
	_ =	sdelay $0x1  }
0x2aa: {  	s5 =	simm.s32 $0xF400  }
0x2ab: {  	[tilespmem:s5], [sflag:$0x2] =	stream.indirect_vreg.gather [hbm4b:s3+s2], $0x80, v4, vm0, $0xb8;
	[tilespmem:$0x1E400] =	vst v63  }
0x2ac: {  	s6 =	simm.s32 $0xFC00  }
0x2ad: {  	[tilespmem:s6], [sflag:$0x2] =	stream.indirect_vreg.gather [hbm4b:s3+s2], $0x80, v3, vm0, $0xb8;
	[tilespmem:$0x1E400] =	vst v63  }
0x2ae: {  	v3 =	vld [tilespmem:$0x63A0];
	_ =	sdelay $0x4  }
0x2af: {  	v58 =	vshll.u32 v3, $0x1  }
0x2b0: {  	v3 =	vand.u32 $0x7, v3;
	v4 =	vand.u32 $0xFFFFFFF0, v58  }
0x2b1: {  	v3 =	vor.u32 v3, v4  }
0x2b2: {  	v4 =	vperm.xlane v3, v0;
	_ =	sdelay $0x1  }
0x2b3: {  	v3 =	vperm.xlane v3, v2;
	v4 =	vadd.s32 v1, v4;
	_ =	sdelay $0x1  }
0x2b4: {  	v3 =	vadd.s32 v1, v3;
	_ =	sdelay $0x1  }
0x2b5: {  	s0 =	simm.s32 $0x10400  }
0x2b6: {  	[tilespmem:s0], [sflag:$0x2] =	stream.indirect_vreg.gather [hbm4b:s3+s2], $0x80, v4, vm0, $0xb8;
	[tilespmem:$0x1E400] =	vst v63  }
0x2b7: {  	s7 =	simm.s32 $0x10C00  }
0x2b8: {  	[tilespmem:s7], [sflag:$0x2] =	stream.indirect_vreg.gather [hbm4b:s3+s2], $0x80, v3, vm0, $0xb8;
	[tilespmem:$0x1E400] =	vst v63  }
0x2b9: {  	v3 =	vld [tilespmem:$0x63B0];
	_ =	sdelay $0x4  }
0x2ba: {  	v59 =	vshll.u32 v3, $0x1  }
0x2bb: {  	v3 =	vand.u32 $0x7, v3;
	v4 =	vand.u32 $0xFFFFFFF0, v59  }
0x2bc: {  	v3 =	vor.u32 v3, v4  }
0x2bd: {  	v4 =	vperm.xlane v3, v0;
	_ =	sdelay $0x1  }
0x2be: {  	v3 =	vperm.xlane v3, v2;
	v4 =	vadd.s32 v1, v4;
	_ =	sdelay $0x1  }
0x2bf: {  	v3 =	vadd.s32 v1, v3;
	_ =	sdelay $0x1  }
0x2c0: {  	s8 =	simm.s32 $0x11400  }
0x2c1: {  	[tilespmem:s8], [sflag:$0x2] =	stream.indirect_vreg.gather [hbm4b:s3+s2], $0x80, v4, vm0, $0xb8;
	[tilespmem:$0x1E400] =	vst v63  }
0x2c2: {  	s9 =	simm.s32 $0x11C00  }
0x2c3: {  	[tilespmem:s9], [sflag:$0x2] =	stream.indirect_vreg.gather [hbm4b:s3+s2], $0x80, v3, vm0, $0xb8;
	[tilespmem:$0x1E400] =	vst v63  }
0x2c4: {  	v3 =	vld [tilespmem:$0x63C0];
	_ =	sdelay $0x4  }
0x2c5: {  	v60 =	vshll.u32 v3, $0x1  }
0x2c6: {  	v3 =	vand.u32 $0x7, v3;
	v4 =	vand.u32 $0xFFFFFFF0, v60  }
0x2c7: {  	v3 =	vor.u32 v3, v4  }
0x2c8: {  	v4 =	vperm.xlane v3, v0;
	_ =	sdelay $0x1  }
0x2c9: {  	v3 =	vperm.xlane v3, v2;
	v4 =	vadd.s32 v1, v4;
	_ =	sdelay $0x1  }
0x2ca: {  	v3 =	vadd.s32 v1, v3;
	_ =	sdelay $0x1  }
0x2cb: {  	s10 =	simm.s32 $0x12400  }
0x2cc: {  	[tilespmem:s10], [sflag:$0x2] =	stream.indirect_vreg.gather [hbm4b:s3+s2], $0x80, v4, vm0, $0xb8;
	[tilespmem:$0x1E400] =	vst v63  }
0x2cd: {  	s11 =	simm.s32 $0x12C00  }
0x2ce: {  	[tilespmem:s11], [sflag:$0x2] =	stream.indirect_vreg.gather [hbm4b:s3+s2], $0x80, v3, vm0, $0xb8;
	[tilespmem:$0x1E400] =	vst v63  }
0x2cf: {  	v3 =	vld [tilespmem:$0x63D0];
	_ =	sdelay $0x4  }
0x2d0: {  	v61 =	vshll.u32 v3, $0x1  }
0x2d1: {  	v3 =	vand.u32 $0x7, v3;
	v4 =	vand.u32 $0xFFFFFFF0, v61  }
0x2d2: {  	v3 =	vor.u32 v3, v4  }
0x2d3: {  	v4 =	vperm.xlane v3, v0;
	_ =	sdelay $0x1  }
0x2d4: {  	v3 =	vperm.xlane v3, v2;
	v4 =	vadd.s32 v1, v4;
	_ =	sdelay $0x1  }
0x2d5: {  	v3 =	vadd.s32 v1, v3;
	_ =	sdelay $0x1  }
0x2d6: {  	s13 =	simm.s32 $0x13400  }
0x2d7: {  	[tilespmem:s13], [sflag:$0x2] =	stream.indirect_vreg.gather [hbm4b:s3+s2], $0x80, v4, vm0, $0xb8;
	[tilespmem:$0x1E400] =	vst v63  }
0x2d8: {  	s18 =	simm.s32 $0x13C00  }
0x2d9: {  	[tilespmem:s18], [sflag:$0x2] =	stream.indirect_vreg.gather [hbm4b:s3+s2], $0x80, v3, vm0, $0xb8;
	[tilespmem:$0x1E400] =	vst v63  }
0x2da: {  	v3 =	vld [tilespmem:$0x63E0];
	_ =	sdelay $0x4  }
0x2db: {  	v62 =	vshll.u32 v3, $0x1  }
0x2dc: {  	v3 =	vand.u32 $0x7, v3;
	v4 =	vand.u32 $0xFFFFFFF0, v62  }
0x2dd: {  	v3 =	vor.u32 v3, v4  }
0x2de: {  	v4 =	vperm.xlane v3, v0;
	_ =	sdelay $0x1  }
0x2df: {  	v3 =	vperm.xlane v3, v2;
	v4 =	vadd.s32 v1, v4;
	_ =	sdelay $0x1  }
0x2e0: {  	v3 =	vadd.s32 v1, v3;
	_ =	sdelay $0x1  }
0x2e1: {  	s20 =	simm.s32 $0x14400  }
0x2e2: {  	[tilespmem:s20], [sflag:$0x2] =	stream.indirect_vreg.gather [hbm4b:s3+s2], $0x80, v4, vm0, $0xb8;
	[tilespmem:$0x1E400] =	vst v63  }
0x2e3: {  	s23 =	simm.s32 $0x14C00  }
0x2e4: {  	[tilespmem:s23], [sflag:$0x2] =	stream.indirect_vreg.gather [hbm4b:s3+s2], $0x80, v3, vm0, $0xb8;
	[tilespmem:$0x1E400] =	vst v63  }
0x2e5: {  	v3 =	vld [tilespmem:$0x63F0];
	_ =	sdelay $0x4  }
0x2e6: {  	v63 =	vshll.u32 v3, $0x1  }
0x2e7: {  	v3 =	vand.u32 $0x7, v3;
	v4 =	vand.u32 $0xFFFFFFF0, v63  }
0x2e8: {  	v3 =	vor.u32 v3, v4  }
0x2e9: {  	v4 =	vperm.xlane v3, v0;
	_ =	sdelay $0x1  }
0x2ea: {  	v3 =	vperm.xlane v3, v2;
	v4 =	vadd.s32 v1, v4;
	_ =	sdelay $0x1  }
0x2eb: {  	v3 =	vadd.s32 v1, v3;
	_ =	sdelay $0x2  }
0x2ec: {  	[tilespmem:s14], [sflag:$0x2] =	stream.indirect_vreg.gather [hbm4b:s3+s2], $0x80, v4, vm0, $0xb8;
	[tilespmem:$0x1E400] =	vst v63  }
0x2ed: {  	_ = 	snop  }
0x2ee: {  	[tilespmem:s15], [sflag:$0x2] =	stream.indirect_vreg.gather [hbm4b:s3+s2], $0x80, v3, vm0, $0xb8;
	[tilespmem:$0x1E400] =	vst v63  }
0x2ef: {  	_ =	swait.ge [sflag:s21], $0x8000  }
0x2f0: {  	[sflag:s21] =	ssyncset.done $0x0  }
0x2f1: {  	s24 =	rddreg [dreg:$0x7];
	[sflag:s21] =	ssyncadd.s32 $0xFFFF8000  }
0x2f2: {  	[hbm4b:s24+s2] =	stream.linear.scatter [tilespmem:s12], [sflag:$0x4], $0x8000, $0x38;
	[tilespmem:$0x1E400] =	vst v63  }
0x2f3: {  	_ =	swait.ge [sflag:s26], $0x8000  }
0x2f4: {  	[sflag:s26] =	ssyncset.done $0x0  }
0x2f5: {  	s25 =	rddreg [dreg:$0x8];
	[sflag:s26] =	ssyncadd.s32 $0xFFFF8000  }
0x2f6: {  	[hbm4b:s25+s2] =	stream.linear.scatter [tilespmem:s29], [sflag:$0x5], $0x8000, $0x38;
	[tilespmem:$0x1E400] =	vst v63  }
0x2f7: {  	_ =	swait.ge [sflag:s17], $0x8000  }
0x2f8: {  	[sflag:s17] =	ssyncset.done $0x0  }
0x2f9: {  	[sflag:s17] =	ssyncadd.s32 $0xFFFF8000  }
0x2fa: {  	_ =	swait.ge [sflag:s28], $0x8000  }
0x2fb: {  	[sflag:s28] =	ssyncset.done $0x0  }
0x2fc: {  	[sflag:s28] =	ssyncadd.s32 $0xFFFF8000  }
0x2fd: {  	_ =	swait.ge [sflag:s22], $0x8000  }
0x2fe: {  	s25 =	rddreg [dreg:$0xa]  }
0x2ff: {  	s30 =	rddreg [dreg:$0x9];
	s25 =	sadd.s32 $0x1, s25  }
0x300: {  	s4 =	simm.s32 $0x18C00;
	s5 =	simm.s32 $0x1CC00;
	p0 =	sne.s32 s25, s30  }
.Ltmp1:
0x301: {  	s6 =	simm.s32 $0x19400;
	s0 =	simm.s32 $0x17C00;
	(pc) =	sbr.rel @p0 .LBB2_1-.Ltmp1, $4  }
0x302: {  	s7 =	simm.s32 $0x1A400;
	s8 =	simm.s32 $0x1B400;
	s9 =	simm.s32 $0x1BC00  }
0x303: {  	s10 =	simm.s32 $0x1C400;
	s11 =	simm.s32 $0x1D400;
	s13 =	simm.s32 $0x1DC00  }
0x304: {  	s18 =	simm.s32 $0x19C00;
	s20 =	simm.s32 $0x17400;
	[sflag:s22] =	ssyncset.done $0x0  }
0x305: {  	s23 =	simm.s32 $0x18400;
	s24 =	simm.s32 $0x1AC00;
	[sflag:s22] =	ssyncadd.s32 $0xFFFF8000  }
0x306: {  	_ =	sfence.sel $0x180000  }
0x307: {  	[bflag:$0x0] =	sbarrier.arrive $0xFFFF  }
0x308: {  	_ =	strace $0x90000047  }
0x309: {  	s0 =	stileid.u32;
	[bflag:$0x2] =	sbarrier.arrive $0xFFFF  }
0x30a: {  	p0 =	sne.s32 s0, $0x0;
	s0 =	rddreg [dreg:$0x1]  }
0x30b: {  	s0 =	sadd.s32 @!p0 $0x100000, s0  }
0x30c: {  	[sflag:s0] =	ssyncadd.tile.s32 @!p0 $0x1;
	_ =	shalt  }
.Lfunc_end2:
_tile_overlayer_lowered:
.L_overlay_start_2:
0x30d: {  	(tag) =	ssettag $0x2  }
0x30e: {  	s0 =	rddreg [dreg:$0x0];
	s2 =	stileid.u32  }
0x30f: {  	s1 =	rddreg [dreg:$0x1];
	p0 =	sne.s32 s2, $0x0  }
0x310: {  	s3 =	rddreg [dreg:$0x2];
	[bflag:$0x3] =	sbarrier.arrive $0xFFFF;
	s2 =	simm.s32 @!p0 $0x1C07  }
0x311: {  	[timem:s3], [sflag:s2] =	dma.local @!p0 [hbm:s0], s1  }
0x312: {  	s0 =	simm.s32 @!p0 $0x7  }
0x313: {  	_ =	swait.ge @!p0 [sflag:s0], s1  }
0x314: {  	s1 =	ssub.s32 @!p0 $0x0, s1;
	[sflag:s0] =	ssyncset.done @!p0 $0x0  }
0x315: {  	[sflag:s0] =	ssyncadd.s32 @!p0 s1  }
0x316: {  	[bflag:$0x3] =	sbarrier.arrive $0xFFFF  }
0x317: {  	_ =	shalt  }

// kernel: sparse-core-data-format-call.cloned.1.call-start
scs
called_computation_lowered:
.L_overlay_start_0:
0x0: {  	s2 =	sld [smem:$0x3FD9]  }
0x1: {  	s3 =	sld [smem:$0x3FFE];
	_ =	sdelay $0x1  }
0x2: {  	s1 =	srdreg.scid  }
0x3: {  	s0 =	sand.u32 $0x1, s1  }
0x4: {  	s18 =	sshll.u32 s0, $0xA;
	s2 =	sadd.s32 s3, s2  }
0x5: {  	s2 =	sadd.s32 s2, s18  }
0x6: {  	[smem:$0x3FC6] =	sst s2  }
0x7: {  	_ = 	snop  }
0x8: {  	s2 =	sld [smem:$0x3FD0];
	(tm) =	ssettm $0x1  }
0x9: {  	s19 =	sld [smem:$0x3FFB];
	_ =	sdelay $0x3  }
0xa: {  	_ =	strace s19  }
0xb: {  	s3 =	sld [smem:$0x3FFC];
	_ =	sdelay $0x3  }
0xc: {  	_ =	strace s3  }
0xd: {  	s3 =	sld [smem:$0x3FFD];
	_ =	sdelay $0x3  }
0xe: {  	_ =	strace s3  }
0xf: {  	_ =	strace $0x8FFFFFFF  }
0x10: {  	s20 =	sld [smem:$0x3FDB];
	_ =	sdelay $0x1  }
0x11: {  	s4 =	simm.s32 $_scs_section_size  }
0x12: {  	s5 =	simm.s32 $_size__tile_overlayer_lowered;
	s6 =	simm.s32 $_tile_overlayer_lowered  }
0x13: {  	s23 =	simm.s32 $0x1BFF;
	s22 =	sshll.u32 s6, $0x1;
	s3 =	sadd.s32 s4, s20  }
0x14: {  	s7 =	simm.s32 $0x0;
	s21 =	sshll.u32 s5, $0x1;
	s5 =	sadd.s32 s22, s3  }
0x15: {  	[timem:s7], [sflag:s23] =	dma.local [hbm:s5], s21  }
0x16: {  	_ =	swait.ge [sflag:s23], s21  }
0x17: {  	s4 =	ssub.s32 $0x0, s21;
	[sflag:s23] =	ssyncset.done $0x0  }
0x18: {  	[sflag:s23] =	ssyncadd.s32 s4;
	_ =	sdelay $0x1  }
0x19: {  	s24 =	simm.s32 $0x1B8B  }
0x1a: {  	_ =	swait.ge [sflag:s24], $0x1  }
0x1b: {  	[sflag:s24] =	ssyncset.done $0x0  }
0x1c: {  	s26 =	simm.s32 $0x1B8E;
	s25 =	sld [smem:$0x3FFE];
	[sflag:s24] =	ssyncadd.s32 $0xFFFFFFFF  }
0x1d: {  	s27 =	simm.s32 $execute0_lowered;
	[smem:$0x3FD2] =	sst s26  }
0x1e: {  	s5 =	sshll.u32 s27, $0x1;
	_ =	strace $0x80000049;
	[dreg:$0x1] =	wrdreg $0xFFFFFFFF  }
0x1f: {  	s28 =	simm.s32 $_size_execute0_lowered;
	s3 =	sadd.s32 s3, s5;
	[dreg:$0x0] =	wrdreg $0x0  }
0x20: {  	s5 =	sshll.u32 s28, $0x1;
	[dreg:$0x2] =	wrdreg s3  }
0x21: {  	[dreg:$0x3] =	wrdreg s5  }
0x22: {  	[dreg:$0x4] =	wrdreg $0xC0  }
0x23: {  	_ =	task [dreg:s7], $0x5FFFF  }
0x24: {  	[dreg:$0x1] =	wrdreg $0xFFFFFFFF  }
0x25: {  	[dreg:$0x0] =	wrdreg $0x60  }
0x26: {  	[dreg:$0x2] =	wrdreg s25  }
0x27: {  	[dreg:$0x3] =	wrdreg s2  }
0x28: {  	[dreg:$0x4] =	wrdreg $0x9  }
0x29: {  	_ =	task.clear_ibuf [dreg:s7], $0x5FFFF;
	_ =	strace $0x90000049  }
0x2a: {  	s29 =	simm.s32 $0x9;
	_ =	strace $0x8000004B  }
0x2b: {  	_ =	swait.ge [sflag:s29], $0x1  }
0x2c: {  	[sflag:s29] =	ssyncadd.s32 $0xFFFFFFFF  }
0x2d: {  	_ =	strace $0x9000004B  }
0x2e: {  	_ =	sfence  }
0x2f: {  	s30 =	sld [smem:$0x0];
	_ =	sdelay $0x2  }
0x30: {  	s31 =	sshll.u32 s1, $0xD;
	s1 =	sshrl.u32 s1, $0x2  }
0x31: {  	s3 =	sand.u32 $0x4000, s31;
	s1 =	sadd.s32 s1, s30  }
0x32: {  	s0 =	sor.u32 s3, s0;
	s1 =	sshll.u32 s1, $0x11  }
0x33: {  	s0 =	sor.u32 s1, s0  }
0x34: {  	s0 =	sadd.s32 $0x8F2B, s0  }
0x35: {  	[sflag:s0] =	ssyncadd.remote.s32 $0x1  }
0x36: {  	_ =	sfence.sel $0xFFFF  }
0x37: {  	[dreg:$0x0] =	wrdreg $0xFFFFFFFF;
	(pc) =	sbr.abs _section_cstart, $3  }
0x38: {  	[dreg:$0x1] =	wrdreg $0xFFFFFFFF  }
0x39: {  	_ =	task.clear_ibuf [dreg:s7], $0x2FFFF;
	_ =	strace $0x9FFFFFFF  }
0x3a: {  	(tm) =	ssettm $0x7FFFFFFF  }
0x3b: {  	_ =	shalt  }
tec
execute0_lowered:
.L_overlay_start_1:
0x0: {  	(tag) =	ssettag $0x1  }
0x1: {  	s0 =	srdreg.scid;
	s6 =	rddreg [dreg:$0x0]  }
0x2: {  	s3 =	rddreg [dreg:$0x1];
	s1 =	sshll.u32 s0, $0x4  }
0x3: {  	s5 =	simm.s32 $0x1;
	s0 =	stileid.u32;
	s1 =	sand.u32 $0x10, s1  }
0x4: {  	s31 =	simm.s32 $0x2;
	s16 =	simm.s32 $0x0;
	s1 =	sor.u32 s0, s1  }
0x5: {  	s8 =	simm.s32 $0x8000;
	s18 =	simm.s32 $0x0;
	s2 =	sshll.u32 s1, $0x7  }
0x6: {  	s17 =	simm.s32 $0x0;
	s9 =	simm.s32 $0x0;
	s4 =	ssub.s32 $0x1000, s2  }
0x7: {  	s10 =	simm.s32 $0x0;
	s11 =	simm.s32 $0x0;
	s30 =	sand.u32 $0xF80, s4  }
0x8: {  	s12 =	simm.s32 $0x0;
	s13 =	simm.s32 $0x0;
	p0 =	sne.s32 s30, $0x0  }
.Ltmp0:
0x9: {  	s7 =	sshrl.u32 s4, $0xC;
	s5 =	simm.s32 @!p0 $0x0;
	(pc) =	sbr.rel .LBB1_1-.Ltmp0, $4  }
0xa: {  	s15 =	simm.s32 $0x0;
	s1 =	rddreg [dreg:$0x2];
	s5 =	sadd.s32 s5, s7  }
0xb: {  	_ =	strace $0x8000004A;
	s4 =	simm.s32 $0x1;
	s5 =	smul.u32 $0x190, s5  }
0xc: {  	s6 =	sadd.s32 $0x326C00, s6;
	s14 =	smov.u32 s2;
	[sflag:s4] =	ssyncpa.u1 $0x0  }
0xd: {  	[sflag:s31] =	ssyncpa.u1 $0x0;
	p0 =	por $0x0, $0x0;
	s7 =	sor.u32 $0x1, s5  }
.LBB1_4:
0xe: {  	s23 =	sshra.s32 s23, $0x2;
	s30 =	sshll.u32 s9, $0xC  }
0xf: {  	p1 =	sgt.s32 s10, $0xC7;
	s24 =	smov.u32 s10;
	s25 =	sshra.s32 s10, $0x1F  }
0x10: {  	s26 =	sshll.u32 s11, $0x3;
	s28 =	smov.u32 s11;
	s29 =	sshra.s32 s11, $0x1F  }
0x11: {  	s22 =	sadd.s32 s23, s22;
	s24 =	simm.s32 @!p1 $0xC7;
	s25 =	sand.u32 s25, s10  }
0x12: {  	s23 =	sand.u32 $0xFFFF8000, s30;
	s27 =	sand.u32 $0xFFFFFC00, s26;
	p1 =	sgt.s32 s9, $0x48  }
0x13: {  	s31 =	sand.u32 s29, s11;
	s29 =	sshll.u32 s9, $0x7;
	s30 =	sshra.s32 s9, $0x1F  }
0x14: {  	[tilespmem:s21+$0x2040 ss:$0x81] =	vst.msk $0xffff, v4;
	s24 =	ssub.s32 s24, s25;
	s23 =	sadd.s32 s27, s23;
	s27 =	smov.u32 s9  }
0x15: {  	[tilespmem:s21+$0x2850 ss:$0x81] =	vst.msk $0xffff, v3;
	s29 =	sand.u32 $0x380, s29;
	s25 =	sadd.s32 $0xFFFFFF39, s24;
	s27 =	simm.s32 @!p1 $0x48  }
0x16: {  	v5 =	vld [tilespmem:s20+$0xFFFFFFD0];
	[tilespmem:s21+$0x3060 ss:$0x81] =	vst.msk $0xffff, v2;
	p1 =	sgt.s32 s11, $0xF80;
	s23 =	sshrl.u32 s23, $0xC;
	s24 =	ssub.s32 $0xC8, s24  }
0x17: {  	v58 =	vld [tilespmem:s20+$0xFFFFFFE0];
	[tilespmem:s21+$0x0 ss:$0x81] =	vst.msk $0xffff, v1;
	s28 =	simm.s32 @!p1 $0xF80;
	p1 =	sgt.s32 s25, $0x0;
	s21 =	smulhi.u32 $0x147AE15, s23  }
0x18: {  	v59 =	vld [tilespmem:s20+$0xFFFFFFF0];
	s25 =	ssub.s32 s28, s31;
	s28 =	sand.u32 s30, s9;
	s24 =	simm.s32 @p1 $0x0  }
0x19: {  	v60 =	vld [tilespmem:s20+$0x0];
	s27 =	ssub.s32 s27, s28;
	s31 =	sadd.s32 $0xFFFFF080, s25;
	s25 =	ssub.s32 $0x1000, s25  }
0x1a: {  	v61 =	vld [tilespmem:s20+$0x10];
	[tilespmem:s22+$0x3870 ss:$0x81] =	vst.msk $0xffff, v0;
	s21 =	smul.u32 $0xC8, s21;
	s28 =	sand.u32 $0x7, s11;
	p1 =	sgt.s32 s31, $0x7F  }
0x1b: {  	v62 =	vld [tilespmem:s20+$0x20];
	[tilespmem:s22+$0x810 ss:$0x81] =	vst.msk $0xffff, v5;
	s30 =	sadd.s32 $0xFFFFFFB8, s27;
	s31 =	sand.u32 $0x78, s11;
	s25 =	simm.s32 @p1 $0x0  }
0x1c: {  	v63 =	vld [tilespmem:s20+$0xFFFFFFC0];
	[tilespmem:s22+$0x1020 ss:$0x81] =	vst.msk $0xffff, v58;
	p1 =	sgt.s32 s30, $0x7F;
	s30 =	sand.u32 $0xC00, s26;
	s24 =	smul.u32 s25, s24  }
0x1d: {  	[tilespmem:s22+$0x1830 ss:$0x81] =	vst.msk $0xffff, v59;
	s26 =	ssub.s32 $0xC8, s27;
	s20 =	sor.u32 s31, s30;
	s31 =	smul.u32 $0x19000, s10  }
0x1e: {  	[tilespmem:s22+$0x2040 ss:$0x81] =	vst.msk $0xffff, v60;
	s21 =	ssub.s32 s23, s21;
	s26 =	simm.s32 @p1 $0x0;
	s20 =	sor.u32 s29, s20  }
0x1f: {  	[tilespmem:s22+$0x2850 ss:$0x81] =	vst.msk $0xffff, v61;
	s26 =	smul.u32 s26, s24;
	s20 =	sshrl.u32 s20, $0x3;
	s27 =	sadd.s32 s3, s31  }
0x20: {  	[tilespmem:s22+$0x3060 ss:$0x81] =	vst.msk $0xffff, v62;
	s21 =	sshll.u32 s21, $0x9;
	s29 =	sshll.u32 s28, $0x12;
	s20 =	sadd.s32 s20, s27  }
0x21: {  	[tilespmem:s22+$0x0 ss:$0x81] =	vst.msk $0xffff, v63;
	s31 =	sor.u32 $0x400, s29;
	s30 =	sand.u32 $0x3FFFFFFF, s26;
	s20 =	sadd.s32 s21, s20  }
0x22: {  	[hbm4b:s20+s31] =	stream.strided.scatter [tilespmem:s19], [sflag:$0x2], s30, s8, s31, $0x20;
	[tilespmem:$0x10100] =	vst v63  }
.LBB1_5:
0x23: {  	p1 =	slt.u32 s15, $0x2  }
0x24: {  	p2 =	sgt.s32 @!p1 s18, $0xC7  }
0x25: {  	s19 =	smov.u32 s18;
	s20 =	sshra.s32 @!p1 s18, $0x1F;
	p2 =	por !p2, p1  }
0x26: {  	s18 =	sand.u32 @!p1 s20, s18;
	s19 =	simm.s32 @p2 $0xC7  }
0x27: {  	p3 =	sgt.s32 @!p1 s16, $0x48;
	s18 =	ssub.s32 @!p1 s19, s18  }
0x28: {  	p4 =	sgt.s32 @!p1 s17, $0xF80;
	s21 =	sshra.s32 @!p1 s17, $0x1F;
	s19 =	sadd.s32 @!p1 $0xFFFFFF39, s18  }
0x29: {  	s20 =	smov.u32 s16;
	p2 =	sgt.s32 @!p1 s19, $0x0;
	s19 =	sshra.s32 @!p1 s16, $0x1F  }
0x2a: {  	p4 =	por !p4, p1;
	s16 =	sand.u32 @!p1 s19, s16;
	s19 =	smov.u32 s17  }
0x2b: {  	p3 =	por !p3, p1;
	s17 =	sand.u32 @!p1 s21, s17;
	s19 =	simm.s32 @p4 $0xF80  }
0x2c: {  	s20 =	simm.s32 @p3 $0x48;
	s18 =	ssub.s32 @!p1 $0xC8, s18;
	s17 =	ssub.s32 @!p1 s19, s17  }
0x2d: {  	p2 =	por !p2, p1;
	s16 =	ssub.s32 @!p1 s20, s16;
	s20 =	sadd.s32 @!p1 $0xFFFFF080, s17  }
0x2e: {  	s18 =	simm.s32 @!p2 $0x0;
	p3 =	sgt.s32 @!p1 s20, $0x7F  }
0x2f: {  	s19 =	sadd.s32 @!p1 $0xFFFFFFB8, s16;
	s17 =	ssub.s32 @!p1 $0x1000, s17;
	p3 =	por !p3, p1  }
0x30: {  	p2 =	sgt.s32 @!p1 s19, $0x7F;
	s19 =	sadd.s32 $0x80, s12;
	s17 =	simm.s32 @!p3 $0x0  }
0x31: {  	p3 =	sgt.s32 s19, $0xC7;
	s17 =	smul.u32 @!p1 s17, s18;
	s18 =	simm.s32 $0x1  }
0x32: {  	s16 =	ssub.s32 @!p1 $0xC8, s16;
	p2 =	por !p2, p1;
	s18 =	simm.s32 @!p3 $0x0  }
0x33: {  	s21 =	smov.u32 s14;
	s16 =	simm.s32 @!p2 $0x0;
	s20 =	sadd.s32 s18, s13  }
0x34: {  	s16 =	smul.u32 @!p1 s16, s17;
	s17 =	sadd.s32 $0x1000, s14;
	p2 =	sgt.s32 s20, $0xC7  }
0x35: {  	p0 =	por !p0, !p0;
	s22 =	simm.s32 @!p1 $0x2;
	s21 =	smov.u32 @p2 s17  }
0x36: {  	s19 =	simm.s32 @p3 $0x0;
	s20 =	simm.s32 @p2 $0x0;
	p2 =	sgt.s32 s21, $0xFFF  }
0x37: {  	s18 =	smov.u32 s10;
	s21 =	smov.u32 @p2 s2;
	p2 =	sne.s32 s15, s7  }
.Ltmp1:
0x38: {  	s10 =	smov.u32 s13;
	s16 =	sand.u32 @!p1 $0x3FFFFFFF, s16;
	(pc) =	sbr.rel @!p2 .LBB1_6-.Ltmp1, $4  }
0x39: {  	s17 =	smov.u32 s11;
	s11 =	smov.u32 s14;
	_ =	swait.ge @!p1 [sflag:s22], s16  }
0x3a: {  	s23 =	ssub.s32 @!p1 $0x0, s16;
	s16 =	smov.u32 s9;
	s9 =	smov.u32 s12  }
0x3b: {  	s12 =	smov.u32 s19;
	s13 =	smov.u32 s20;
	[sflag:s22] =	ssyncset.done @!p1 $0x0  }
0x3c: {  	s15 =	sadd.s32 $0x1, s15;
	[sflag:s22] =	ssyncadd.s32 @!p1 s23;
	s14 =	smov.u32 s21  }
.LBB1_1:
0x3d: {  	p1 =	sge.u32 s15, s5  }
0x3e: {  	s19 =	sshll.u32 @!p1 s13, $0x8;
	s20 =	sshll.u32 @!p1 s12, $0x3  }
0x3f: {  	s21 =	sshll.u32 @!p1 s13, $0x7;
	s19 =	sand.u32 @!p1 $0xFFFFF800, s19;
	s20 =	sand.u32 @!p1 $0xFFFFFC00, s20  }
0x40: {  	s19 =	sadd.s32 @!p1 s19, s20;
	s20 =	sand.u32 @!p1 $0x300, s21  }
0x41: {  	s19 =	sor.u32 @!p1 s20, s19  }
0x42: {  	s19 =	sshrl.u32 @!p1 s19, $0x8  }
0x43: {  	s31 =	sadd.s32 $0xFFFFFFFF, s15;
	s20 =	smulhi.u32 @!p1 $0x147AE15, s19  }
0x44: {  	s22 =	sxor.u32 @!p1 $0xFFFFFFFF, s15;
	s23 =	sand.u32 @!p1 $0x78, s12;
	s24 =	smul.u32 @!p1 $0x1900, s14  }
0x45: {  	s22 =	sshll.u32 @!p1 s22, $0xE;
	s21 =	sand.u32 @!p1 $0x80, s21;
	s20 =	smul.u32 @!p1 $0xC8, s20  }
0x46: {  	s22 =	sand.u32 @!p1 $0x4000, s22;
	s21 =	sor.u32 @!p1 s23, s21;
	s23 =	sand.u32 @!p1 $0x7, s12  }
0x47: {  	s19 =	ssub.s32 @!p1 s19, s20;
	s20 =	sshrl.u32 @!p1 s21, $0x3;
	s21 =	sadd.s32 @!p1 s6, s24  }
0x48: {  	s19 =	sshll.u32 @!p1 s19, $0x5;
	s20 =	sadd.s32 @!p1 s20, s21;
	s21 =	sshll.u32 @!p1 s23, $0x12  }
0x49: {  	s19 =	sadd.s32 @!p1 s19, s20;
	s20 =	sor.u32 @!p1 $0x80, s21;
	s21 =	simm.s32 @!p1 $0xC800  }
0x4a: {  	[tilespmem:s22], [sflag:$0x1] =	stream.strided.gather @!p1 [hbm4b:s19+s20], $0x4000, s21, s20, $0x38;
	[tilespmem:$0x10100] =	vst v63  }
0x4b: {  	p1 =	sge.u32 s31, s5  }
.Ltmp2:
0x4c: {  	_ = 	snop;
	(pc) =	sbr.rel @p1 .LBB1_5-.Ltmp2, $1  }
0x4d: {  	_ =	sdelay $0x3  }
0x4e: {  	s19 =	simm.s32 $0x1  }
0x4f: {  	_ =	swait.ge [sflag:s4], $0x4000;
	s19 =	simm.s32 @!p0 $0x0  }
0x50: {  	[sflag:s4] =	ssyncset.done $0x0;
	s20 =	sshll.u32 s19, $0xE  }
0x51: {  	[sflag:s4] =	ssyncadd.s32 $0xFFFFC000;
	s20 =	sor.u32 $0x40, s20  }
0x52: {  	s19 =	smul.u32 $0x10200, s19;
	v0 =	vld [tilespmem:s20+$0x30]  }
0x53: {  	v1 =	vld [tilespmem:s20+$0xFFFFFFD0]  }
0x54: {  	s19 =	sshrl.u32 s19, $0x2;
	v5 =	vld [tilespmem:s20+$0xFFFFFFE0]  }
0x55: {  	v6 =	vld [tilespmem:s20+$0xFFFFFFF0];
	s22 =	sor.u32 $0x8000, s19  }
0x56: {  	s31 =	sand.u32 $0x1, s15;
	v4 =	vld [tilespmem:s20+$0x0];
	s21 =	sadd.s32 $0x0, s22  }
0x57: {  	v3 =	vld [tilespmem:s20+$0x10];
	s19 =	smul.u32 $0x10200, s31;
	[tilespmem:s21+$0x3870 ss:$0x81] =	vst.msk $0xffff, v0  }
0x58: {  	v2 =	vld [tilespmem:s20+$0x20];
	[tilespmem:s21+$0x810 ss:$0x81] =	vst.msk $0xffff, v1  }
0x59: {  	s19 =	sshrl.u32 s19, $0x2;
	v1 =	vld [tilespmem:s20+$0xFFFFFFC0];
	[tilespmem:s21+$0x1020 ss:$0x81] =	vst.msk $0xffff, v5;
	s20 =	sadd.s32 $0x80, s20  }
0x5a: {  	s23 =	simm.s32 $0x4;
	s24 =	simm.s32 $0x8;
	s19 =	sor.u32 $0x8000, s19;
	[tilespmem:s21+$0x1830 ss:$0x81] =	vst.msk $0xffff, v6;
	v0 =	vld [tilespmem:s20+$0x30]  }
.LBB1_3:
0x5b: {  	p1 =	sne.s32 s24, $0x1FC;
	v5 =	vld [tilespmem:s20+$0xFFFFFFD0];
	[tilespmem:s21+$0x2040 ss:$0x81] =	vst.msk $0xffff, v4  }
0x5c: {  	v6 =	vld [tilespmem:s20+$0xFFFFFFE0];
	[tilespmem:s21+$0x2850 ss:$0x81] =	vst.msk $0xffff, v3  }
0x5d: {  	s25 =	sshra.s32 s23, $0x2;
	s23 =	smov.u32 s24;
	v7 =	vld [tilespmem:s20+$0xFFFFFFF0];
	[tilespmem:s21+$0x3060 ss:$0x81] =	vst.msk $0xffff, v2  }
.Ltmp3:
0x5e: {  	v4 =	vld [tilespmem:s20+$0x0];
	[tilespmem:s21+$0x0 ss:$0x81] =	vst.msk $0xffff, v1;
	s21 =	sadd.s32 s25, s22;
	(pc) =	sbr.rel @p1 .LBB1_3-.Ltmp3, $4  }
0x5f: {  	v3 =	vld [tilespmem:s20+$0x10];
	[tilespmem:s21+$0x3870 ss:$0x81] =	vst.msk $0xffff, v0  }
0x60: {  	[tilespmem:s21+$0x810 ss:$0x81] =	vst.msk $0xffff, v5;
	v2 =	vld [tilespmem:s20+$0x20]  }
0x61: {  	v1 =	vld [tilespmem:s20+$0xFFFFFFC0];
	[tilespmem:s21+$0x1020 ss:$0x81] =	vst.msk $0xffff, v6;
	s20 =	sadd.s32 $0x80, s20  }
0x62: {  	s24 =	sadd.s32 $0x4, s24;
	v0 =	vld [tilespmem:s20+$0x30];
	[tilespmem:s21+$0x1830 ss:$0x81] =	vst.msk $0xffff, v7  }
.Ltmp4:
0x63: {  	_ = 	snop;
	(pc) =	sbr.rel .LBB1_4-.Ltmp4, $1  }
0x64: {  	_ =	sdelay $0x3  }
.LBB1_6:
0x65: {  	_ =	sfence.sel $0x180000  }
0x66: {  	s2 =	simm.s32 $0x1;
	[bflag:$0x0] =	sbarrier.arrive $0xFFFF  }
0x67: {  	s31 =	simm.s32 $0x2;
	[sflag:s2] =	ssyncpa.u1 $0x1  }
0x68: {  	[sflag:s31] =	ssyncpa.u1 $0x1  }
0x69: {  	p0 =	sne.s32 s0, $0x0;
	_ =	strace $0x9000004A  }
0x6a: {  	s0 =	sadd.s32 @!p0 $0x100000, s1;
	[bflag:$0x2] =	sbarrier.arrive $0xFFFF  }
0x6b: {  	[sflag:s0] =	ssyncadd.tile.s32 @!p0 $0x1;
	_ =	shalt  }
.Lfunc_end1:
_tile_overlayer_lowered:
.L_overlay_start_2:
0x6c: {  	(tag) =	ssettag $0x2  }
0x6d: {  	s0 =	rddreg [dreg:$0x0];
	s2 =	stileid.u32  }
0x6e: {  	s1 =	rddreg [dreg:$0x1];
	p0 =	sne.s32 s2, $0x0  }
0x6f: {  	s3 =	rddreg [dreg:$0x2];
	[bflag:$0x3] =	sbarrier.arrive $0xFFFF;
	s2 =	simm.s32 @!p0 $0x1C01  }
0x70: {  	[timem:s3], [sflag:s2] =	dma.local @!p0 [hbm:s0], s1  }
0x71: {  	s0 =	simm.s32 @!p0 $0x1  }
0x72: {  	_ =	swait.ge @!p0 [sflag:s0], s1  }
0x73: {  	s1 =	ssub.s32 @!p0 $0x0, s1;
	[sflag:s0] =	ssyncset.done @!p0 $0x0  }
0x74: {  	[sflag:s0] =	ssyncadd.s32 @!p0 s1  }
0x75: {  	[bflag:$0x3] =	sbarrier.arrive $0xFFFF  }
0x76: {  	_ =	shalt  }

</sc_bundles>
